<compile_context>
chip_gen: v7x
topology: tpu7x:2x2x1
jax: 0.10.2.dev20260603
libtpu: 0.0.44.dev20260713+nightly
codegen_flags: <defaults>
</compile_context>

<pallas_src>
import jax
import jax.numpy as jnp
from jax import lax
from jax.experimental import pallas as pl
from jax.experimental.pallas import tpu as pltpu
from jax.experimental.pallas import tpu_sc as plsc

_NC = 2
_NS = 16
_NW = _NC * _NS
_L = 16

_TBL_ROWS = 115
_TBL_W = 33
_WIDTHS = (7, 16, 4, 6, 26)
_ROFF = (0, 13, 45, 53, 64)
_XROWS = 60


def _sc_gather_body(tbl_hbm, im, id_, iw, is_, ii, yr, xt_hbm,
                    tbl_v, idx_v, yr_v, buf_v, sem):
  wid = lax.axis_index("s") * _NC + lax.axis_index("c")
  rows = yr.shape[0] // _NW
  base = wid * rows

  idxs = (im, id_, iw, is_, ii)

  cps = [pltpu.async_copy(tbl_hbm, tbl_v, sem)]
  for f in range(5):
    cps.append(pltpu.async_copy(
        idxs[f].at[pl.ds(base, rows)], idx_v.at[pl.ds(f * rows, rows)], sem))
  cps.append(pltpu.async_copy(yr.at[pl.ds(base, rows)], yr_v, sem))
  for cp in cps:
    cp.wait()

  @plsc.parallel_loop(0, rows // _L, unroll=4)
  def block(rb):
    off = rb * _L
    g = 0
    for f in range(5):
      iv = idx_v[pl.ds(f * rows + off, _L)] * _TBL_W + _ROFF[f] * _TBL_W
      for c in range(_WIDTHS[f]):
        v = plsc.load_gather(tbl_v, [iv + c])
        buf_v[g, pl.ds(off, _L)] = v
        g += 1
    buf_v[59, pl.ds(off, _L)] = yr_v[pl.ds(off, _L)]

  pltpu.sync_copy(buf_v, xt_hbm.at[:, pl.ds(base, rows)])


def _sc_gather(tbl, idxs, yr, batch):
  rows_per_w = batch // _NW
  kern = pl.kernel(
      _sc_gather_body,
      out_type=jax.ShapeDtypeStruct((_XROWS, batch), jnp.float32),
      mesh=plsc.VectorSubcoreMesh(core_axis_name="c", subcore_axis_name="s"),
      compiler_params=pltpu.CompilerParams(needs_layout_passes=False),
      scratch_types=[
          pltpu.VMEM((_TBL_ROWS * _TBL_W,), jnp.float32),
          pltpu.VMEM((5 * rows_per_w,), jnp.int32),
          pltpu.VMEM((rows_per_w,), jnp.float32),
          pltpu.VMEM((_XROWS, rows_per_w), jnp.float32),
          pltpu.SemaphoreType.DMA,
      ],
  )
  return kern(tbl, *idxs, yr)


def _tc_mlp_body(xt_ref, w1_ref, b1_ref, w2_ref, b2_ref, w3_ref, b3_ref,
                 o_ref):
  def mmT(a, b):
    return lax.dot_general(a, b, (((0,), (0,)), ((), ())),
                           preferred_element_type=jnp.float32,
                           precision=lax.Precision.HIGHEST)

  w1 = w1_ref[...]
  w1r = jnp.concatenate([w1[1:60], w1[0:1]], axis=0)
  h = jnp.maximum(mmT(w1r, xt_ref[...]) + b1_ref[...], 0.0)
  h = jnp.maximum(mmT(w2_ref[...], h) + b2_ref[...], 0.0)
  o_ref[...] = jnp.sum(h * w3_ref[...], axis=0, keepdims=True) + b3_ref[...]


def _tc_mlp(xt, w1, b1, w2, b2, w3, b3, blk=8192):
  batch = xt.shape[1]
  grid = batch // blk
  full = lambda a: pl.BlockSpec(a.shape, lambda i: (0,) * a.ndim)
  return pl.pallas_call(
      _tc_mlp_body,
      grid=(grid,),
      in_specs=[
          pl.BlockSpec((_XROWS, blk), lambda i: (0, i)),
          full(w1), full(b1), full(w2), full(b2), full(w3), full(b3),
      ],
      out_specs=pl.BlockSpec((1, blk), lambda i: (0, i)),
      out_shape=jax.ShapeDtypeStruct((1, batch), jnp.float32),
  )(xt, w1, b1, w2, b2, w3, b3)


def kernel(year, month, day, weekday, stores, items,
           emb_month, emb_day, emb_weekday, emb_stores, emb_items,
           W1, b1, W2, b2, W3, b3):
  batch = year.shape[0]
  pad = lambda t: jnp.pad(t, ((0, 0), (0, _TBL_W - t.shape[1])))
  tbl = jnp.concatenate(
      [pad(emb_month), pad(emb_day), pad(emb_weekday), pad(emb_stores),
       pad(emb_items)], axis=0).reshape(-1)
  idxs = tuple(a.reshape(batch) for a in (month, day, weekday, stores, items))

  xt = _sc_gather(tbl, idxs, year.reshape(batch), batch)
  out_t = _tc_mlp(xt, W1, b1.reshape(-1, 1), W2, b2.reshape(-1, 1), W3,
                  b3.reshape(-1, 1))
  return out_t.reshape(batch, 1)

# --- scband reference (transcript-rebuilt; emitter-appended) ---
"""Pipeline reference for scband-nnwith-embeddings-16449724744585 (READ-ONLY COPY).

The authoritative reference and input builder live on the scoring server;
editing this copy changes nothing except your own understanding.
"""

import jax, jax.numpy as jnp
import numpy as np

B = 16384


def setup_inputs(seed: int = 0) -> dict:
    key = jax.random.key(seed)
    ks = jax.random.split(key, 18)
    inp = {}
    inp["year"] = jax.random.normal(ks[0], (B, 1), dtype=jnp.float32)
    inp["month"] = jax.random.randint(ks[1], (B, 1), 0, 13, dtype=jnp.int32)
    inp["day"] = jax.random.randint(ks[2], (B, 1), 0, 32, dtype=jnp.int32)
    inp["weekday"] = jax.random.randint(ks[3], (B, 1), 0, 8, dtype=jnp.int32)
    inp["stores"] = jax.random.randint(ks[4], (B, 1), 0, 11, dtype=jnp.int32)
    inp["items"] = jax.random.randint(ks[5], (B, 1), 0, 51, dtype=jnp.int32)
    # learned parameters (Keras Embedding tables + Dense layers)
    inp["emb_month"] = jax.random.normal(ks[6], (13, 7), dtype=jnp.float32) * 0.05
    inp["emb_day"] = jax.random.normal(ks[7], (32, 16), dtype=jnp.float32) * 0.05
    inp["emb_weekday"] = jax.random.normal(ks[8], (8, 4), dtype=jnp.float32) * 0.05
    inp["emb_stores"] = jax.random.normal(ks[9], (11, 6), dtype=jnp.float32) * 0.05
    inp["emb_items"] = jax.random.normal(ks[10], (51, 26), dtype=jnp.float32) * 0.05
    d_in = 1 + 7 + 16 + 4 + 6 + 26  # 60
    inp["W1"] = jax.random.normal(ks[11], (d_in, 100), dtype=jnp.float32) * (1.0 / np.sqrt(d_in))
    inp["b1"] = jnp.zeros((100,), dtype=jnp.float32)
    inp["W2"] = jax.random.normal(ks[12], (100, 10), dtype=jnp.float32) * 0.1
    inp["b2"] = jnp.zeros((10,), dtype=jnp.float32)
    inp["W3"] = jax.random.normal(ks[13], (10, 1), dtype=jnp.float32) * 0.3
    inp["b3"] = jnp.zeros((1,), dtype=jnp.float32)
    return inp


def reference(year, month, day, weekday, stores, items,
              emb_month, emb_day, emb_weekday, emb_stores, emb_items,
              W1, b1, W2, b2, W3, b3):
    # embedding lookups (Embedding + Reshape in the Keras graph)
    m = jnp.take(emb_month, month[:, 0], axis=0)
    d = jnp.take(emb_day, day[:, 0], axis=0)
    w = jnp.take(emb_weekday, weekday[:, 0], axis=0)
    s = jnp.take(emb_stores, stores[:, 0], axis=0)
    it = jnp.take(emb_items, items[:, 0], axis=0)
    # Concatenate raw year with all embeddings
    h = jnp.concatenate([year, m, d, w, s, it], axis=1)
    # Dense(100) -> relu -> Dense(10) -> relu -> Dense(1)
    h = jax.nn.relu(h @ W1 + b1)
    h = jax.nn.relu(h @ W2 + b2)
    out = h @ W3 + b3
    return out

if __name__ == "__main__":
    import jax
    _d = setup_inputs()
    print(jax.jit(kernel)(*tuple(_d.values())))

</pallas_src>

<mosaic_0001>
#map = affine_map<(d0, d1) -> (0)>
#map1 = affine_map<(d0, d1) -> (0, 0)>
module attributes {stable_mosaic.version = 14 : i64} {
  func.func @_sc_gather_body(%arg0: i32, %arg1: i32, %arg2: memref<3795xf32, #tpu.memory_space<hbm>>, %arg3: memref<16384xi32, #tpu.memory_space<hbm>>, %arg4: memref<16384xi32, #tpu.memory_space<hbm>>, %arg5: memref<16384xi32, #tpu.memory_space<hbm>>, %arg6: memref<16384xi32, #tpu.memory_space<hbm>>, %arg7: memref<16384xi32, #tpu.memory_space<hbm>>, %arg8: memref<16384xf32, #tpu.memory_space<hbm>>, %arg9: memref<60x16384xf32, #tpu.memory_space<hbm>>, %arg10: memref<3795xf32, #tpu.memory_space<vmem>>, %arg11: memref<2560xi32, #tpu.memory_space<vmem>>, %arg12: memref<512xf32, #tpu.memory_space<vmem>>, %arg13: memref<60x512xf32, #tpu.memory_space<vmem>>, %arg14: memref<!tpu.dma_semaphore, #tpu.memory_space<semaphore_mem>>) attributes {dimension_semantics = [#tpu.dimension_semantics<core_parallel>, #tpu.dimension_semantics<subcore_parallel>], iteration_bounds = array<i64: 2, 16>, scalar_prefetch = 0 : i64, scratch_operands = 5 : i64, tpu.core_type = #tpu.core_type<sc_vector_subcore>, window_params = [{transform_indices = #map}, {transform_indices = #map}, {transform_indices = #map}, {transform_indices = #map}, {transform_indices = #map}, {transform_indices = #map}, {transform_indices = #map}, {transform_indices = #map1}]} {
    %mul3A = arith.constant 2 : i32
    %mul3A_0 = arith.muli %arg1, %mul3A : i32
    %add3A = arith.addi %mul3A_0, %arg0 : i32
    %mul3A_1 = arith.constant 512 : i32
    %mul3A_2 = arith.muli %add3A, %mul3A_1 : i32
    tpu.enqueue_dma source(%arg2 : memref<3795xf32, #tpu.memory_space<hbm>>) target(%arg10 : memref<3795xf32, #tpu.memory_space<vmem>>) target_semaphore(%arg14 : memref<!tpu.dma_semaphore, #tpu.memory_space<semaphore_mem>>)
    %dma_start3A = arith.constant 0 : i32
    %dma_start3A_3 = tpu.memref_slice %arg11[%dma_start3A] : memref<2560xi32, #tpu.memory_space<vmem>> -> memref<512xi32, #tpu.memory_space<vmem>>
    %dma_start3A_4 = tpu.memref_slice %arg3[%mul3A_2] : memref<16384xi32, #tpu.memory_space<hbm>> -> memref<512xi32, #tpu.memory_space<hbm>>
    %dma_start3A_5 = arith.constant 0 : i32
    %dma_start3A_6 = tpu.memref_slice %arg11[%dma_start3A_5] : memref<2560xi32, #tpu.memory_space<vmem>> -> memref<512xi32, #tpu.memory_space<vmem>>
    %dma_start3A_7 = tpu.memref_slice %arg3[%mul3A_2] : memref<16384xi32, #tpu.memory_space<hbm>> -> memref<512xi32, #tpu.memory_space<hbm>>
    tpu.enqueue_dma source(%dma_start3A_7 : memref<512xi32, #tpu.memory_space<hbm>>) target(%dma_start3A_6 : memref<512xi32, #tpu.memory_space<vmem>>) target_semaphore(%arg14 : memref<!tpu.dma_semaphore, #tpu.memory_space<semaphore_mem>>)
    %dma_start3A_8 = arith.constant 512 : i32
    %dma_start3A_9 = tpu.memref_slice %arg11[%dma_start3A_8] : memref<2560xi32, #tpu.memory_space<vmem>> -> memref<512xi32, #tpu.memory_space<vmem>>
    %dma_start3A_10 = tpu.memref_slice %arg4[%mul3A_2] : memref<16384xi32, #tpu.memory_space<hbm>> -> memref<512xi32, #tpu.memory_space<hbm>>
    %dma_start3A_11 = arith.constant 512 : i32
    %dma_start3A_12 = tpu.memref_slice %arg11[%dma_start3A_11] : memref<2560xi32, #tpu.memory_space<vmem>> -> memref<512xi32, #tpu.memory_space<vmem>>
    %dma_start3A_13 = tpu.memref_slice %arg4[%mul3A_2] : memref<16384xi32, #tpu.memory_space<hbm>> -> memref<512xi32, #tpu.memory_space<hbm>>
    tpu.enqueue_dma source(%dma_start3A_13 : memref<512xi32, #tpu.memory_space<hbm>>) target(%dma_start3A_12 : memref<512xi32, #tpu.memory_space<vmem>>) target_semaphore(%arg14 : memref<!tpu.dma_semaphore, #tpu.memory_space<semaphore_mem>>)
    %dma_start3A_14 = arith.constant 1024 : i32
    %dma_start3A_15 = tpu.memref_slice %arg11[%dma_start3A_14] : memref<2560xi32, #tpu.memory_space<vmem>> -> memref<512xi32, #tpu.memory_space<vmem>>
    %dma_start3A_16 = tpu.memref_slice %arg5[%mul3A_2] : memref<16384xi32, #tpu.memory_space<hbm>> -> memref<512xi32, #tpu.memory_space<hbm>>
    %dma_start3A_17 = arith.constant 1024 : i32
    %dma_start3A_18 = tpu.memref_slice %arg11[%dma_start3A_17] : memref<2560xi32, #tpu.memory_space<vmem>> -> memref<512xi32, #tpu.memory_space<vmem>>
    %dma_start3A_19 = tpu.memref_slice %arg5[%mul3A_2] : memref<16384xi32, #tpu.memory_space<hbm>> -> memref<512xi32, #tpu.memory_space<hbm>>
    tpu.enqueue_dma source(%dma_start3A_19 : memref<512xi32, #tpu.memory_space<hbm>>) target(%dma_start3A_18 : memref<512xi32, #tpu.memory_space<vmem>>) target_semaphore(%arg14 : memref<!tpu.dma_semaphore, #tpu.memory_space<semaphore_mem>>)
    %dma_start3A_20 = arith.constant 1536 : i32
    %dma_start3A_21 = tpu.memref_slice %arg11[%dma_start3A_20] : memref<2560xi32, #tpu.memory_space<vmem>> -> memref<512xi32, #tpu.memory_space<vmem>>
    %dma_start3A_22 = tpu.memref_slice %arg6[%mul3A_2] : memref<16384xi32, #tpu.memory_space<hbm>> -> memref<512xi32, #tpu.memory_space<hbm>>
    %dma_start3A_23 = arith.constant 1536 : i32
    %dma_start3A_24 = tpu.memref_slice %arg11[%dma_start3A_23] : memref<2560xi32, #tpu.memory_space<vmem>> -> memref<512xi32, #tpu.memory_space<vmem>>
    %dma_start3A_25 = tpu.memref_slice %arg6[%mul3A_2] : memref<16384xi32, #tpu.memory_space<hbm>> -> memref<512xi32, #tpu.memory_space<hbm>>
    tpu.enqueue_dma source(%dma_start3A_25 : memref<512xi32, #tpu.memory_space<hbm>>) target(%dma_start3A_24 : memref<512xi32, #tpu.memory_space<vmem>>) target_semaphore(%arg14 : memref<!tpu.dma_semaphore, #tpu.memory_space<semaphore_mem>>)
    %dma_start3A_26 = arith.constant 2048 : i32
    %dma_start3A_27 = tpu.memref_slice %arg11[%dma_start3A_26] : memref<2560xi32, #tpu.memory_space<vmem>> -> memref<512xi32, #tpu.memory_space<vmem>>
    %dma_start3A_28 = tpu.memref_slice %arg7[%mul3A_2] : memref<16384xi32, #tpu.memory_space<hbm>> -> memref<512xi32, #tpu.memory_space<hbm>>
    %dma_start3A_29 = arith.constant 2048 : i32
    %dma_start3A_30 = tpu.memref_slice %arg11[%dma_start3A_29] : memref<2560xi32, #tpu.memory_space<vmem>> -> memref<512xi32, #tpu.memory_space<vmem>>
    %dma_start3A_31 = tpu.memref_slice %arg7[%mul3A_2] : memref<16384xi32, #tpu.memory_space<hbm>> -> memref<512xi32, #tpu.memory_space<hbm>>
    tpu.enqueue_dma source(%dma_start3A_31 : memref<512xi32, #tpu.memory_space<hbm>>) target(%dma_start3A_30 : memref<512xi32, #tpu.memory_space<vmem>>) target_semaphore(%arg14 : memref<!tpu.dma_semaphore, #tpu.memory_space<semaphore_mem>>)
    %dma_start3A_32 = tpu.memref_slice %arg8[%mul3A_2] : memref<16384xf32, #tpu.memory_space<hbm>> -> memref<512xf32, #tpu.memory_space<hbm>>
    %dma_start3A_33 = tpu.memref_slice %arg8[%mul3A_2] : memref<16384xf32, #tpu.memory_space<hbm>> -> memref<512xf32, #tpu.memory_space<hbm>>
    tpu.enqueue_dma source(%dma_start3A_33 : memref<512xf32, #tpu.memory_space<hbm>>) target(%arg12 : memref<512xf32, #tpu.memory_space<vmem>>) target_semaphore(%arg14 : memref<!tpu.dma_semaphore, #tpu.memory_space<semaphore_mem>>)
    tpu.wait_dma2 semaphore(%arg14 : memref<!tpu.dma_semaphore, #tpu.memory_space<semaphore_mem>>) src(%arg2 : memref<3795xf32, #tpu.memory_space<hbm>>) dst(%arg10 : memref<3795xf32, #tpu.memory_space<vmem>>)
    %dma_wait3A = arith.constant 0 : i32
    %dma_wait3A_34 = tpu.memref_slice %arg11[%dma_wait3A] : memref<2560xi32, #tpu.memory_space<vmem>> -> memref<512xi32, #tpu.memory_space<vmem>>
    %dma_wait3A_35 = tpu.memref_slice %arg3[%mul3A_2] : memref<16384xi32, #tpu.memory_space<hbm>> -> memref<512xi32, #tpu.memory_space<hbm>>
    %dma_wait3A_36 = arith.constant 0 : i32
    %dma_wait3A_37 = tpu.memref_slice %arg11[%dma_wait3A_36] : memref<2560xi32, #tpu.memory_space<vmem>> -> memref<512xi32, #tpu.memory_space<vmem>>
    %dma_wait3A_38 = tpu.memref_slice %arg3[%mul3A_2] : memref<16384xi32, #tpu.memory_space<hbm>> -> memref<512xi32, #tpu.memory_space<hbm>>
    tpu.wait_dma2 semaphore(%arg14 : memref<!tpu.dma_semaphore, #tpu.memory_space<semaphore_mem>>) src(%dma_wait3A_38 : memref<512xi32, #tpu.memory_space<hbm>>) dst(%dma_wait3A_37 : memref<512xi32, #tpu.memory_space<vmem>>)
    %dma_wait3A_39 = arith.constant 512 : i32
    %dma_wait3A_40 = tpu.memref_slice %arg11[%dma_wait3A_39] : memref<2560xi32, #tpu.memory_space<vmem>> -> memref<512xi32, #tpu.memory_space<vmem>>
    %dma_wait3A_41 = tpu.memref_slice %arg4[%mul3A_2] : memref<16384xi32, #tpu.memory_space<hbm>> -> memref<512xi32, #tpu.memory_space<hbm>>
    %dma_wait3A_42 = arith.constant 512 : i32
    %dma_wait3A_43 = tpu.memref_slice %arg11[%dma_wait3A_42] : memref<2560xi32, #tpu.memory_space<vmem>> -> memref<512xi32, #tpu.memory_space<vmem>>
    %dma_wait3A_44 = tpu.memref_slice %arg4[%mul3A_2] : memref<16384xi32, #tpu.memory_space<hbm>> -> memref<512xi32, #tpu.memory_space<hbm>>
    tpu.wait_dma2 semaphore(%arg14 : memref<!tpu.dma_semaphore, #tpu.memory_space<semaphore_mem>>) src(%dma_wait3A_44 : memref<512xi32, #tpu.memory_space<hbm>>) dst(%dma_wait3A_43 : memref<512xi32, #tpu.memory_space<vmem>>)
    %dma_wait3A_45 = arith.constant 1024 : i32
    %dma_wait3A_46 = tpu.memref_slice %arg11[%dma_wait3A_45] : memref<2560xi32, #tpu.memory_space<vmem>> -> memref<512xi32, #tpu.memory_space<vmem>>
    %dma_wait3A_47 = tpu.memref_slice %arg5[%mul3A_2] : memref<16384xi32, #tpu.memory_space<hbm>> -> memref<512xi32, #tpu.memory_space<hbm>>
    %dma_wait3A_48 = arith.constant 1024 : i32
    %dma_wait3A_49 = tpu.memref_slice %arg11[%dma_wait3A_48] : memref<2560xi32, #tpu.memory_space<vmem>> -> memref<512xi32, #tpu.memory_space<vmem>>
    %dma_wait3A_50 = tpu.memref_slice %arg5[%mul3A_2] : memref<16384xi32, #tpu.memory_space<hbm>> -> memref<512xi32, #tpu.memory_space<hbm>>
    tpu.wait_dma2 semaphore(%arg14 : memref<!tpu.dma_semaphore, #tpu.memory_space<semaphore_mem>>) src(%dma_wait3A_50 : memref<512xi32, #tpu.memory_space<hbm>>) dst(%dma_wait3A_49 : memref<512xi32, #tpu.memory_space<vmem>>)
    %dma_wait3A_51 = arith.constant 1536 : i32
    %dma_wait3A_52 = tpu.memref_slice %arg11[%dma_wait3A_51] : memref<2560xi32, #tpu.memory_space<vmem>> -> memref<512xi32, #tpu.memory_space<vmem>>
    %dma_wait3A_53 = tpu.memref_slice %arg6[%mul3A_2] : memref<16384xi32, #tpu.memory_space<hbm>> -> memref<512xi32, #tpu.memory_space<hbm>>
    %dma_wait3A_54 = arith.constant 1536 : i32
    %dma_wait3A_55 = tpu.memref_slice %arg11[%dma_wait3A_54] : memref<2560xi32, #tpu.memory_space<vmem>> -> memref<512xi32, #tpu.memory_space<vmem>>
    %dma_wait3A_56 = tpu.memref_slice %arg6[%mul3A_2] : memref<16384xi32, #tpu.memory_space<hbm>> -> memref<512xi32, #tpu.memory_space<hbm>>
    tpu.wait_dma2 semaphore(%arg14 : memref<!tpu.dma_semaphore, #tpu.memory_space<semaphore_mem>>) src(%dma_wait3A_56 : memref<512xi32, #tpu.memory_space<hbm>>) dst(%dma_wait3A_55 : memref<512xi32, #tpu.memory_space<vmem>>)
    %dma_wait3A_57 = arith.constant 2048 : i32
    %dma_wait3A_58 = tpu.memref_slice %arg11[%dma_wait3A_57] : memref<2560xi32, #tpu.memory_space<vmem>> -> memref<512xi32, #tpu.memory_space<vmem>>
    %dma_wait3A_59 = tpu.memref_slice %arg7[%mul3A_2] : memref<16384xi32, #tpu.memory_space<hbm>> -> memref<512xi32, #tpu.memory_space<hbm>>
    %dma_wait3A_60 = arith.constant 2048 : i32
    %dma_wait3A_61 = tpu.memref_slice %arg11[%dma_wait3A_60] : memref<2560xi32, #tpu.memory_space<vmem>> -> memref<512xi32, #tpu.memory_space<vmem>>
    %dma_wait3A_62 = tpu.memref_slice %arg7[%mul3A_2] : memref<16384xi32, #tpu.memory_space<hbm>> -> memref<512xi32, #tpu.memory_space<hbm>>
    tpu.wait_dma2 semaphore(%arg14 : memref<!tpu.dma_semaphore, #tpu.memory_space<semaphore_mem>>) src(%dma_wait3A_62 : memref<512xi32, #tpu.memory_space<hbm>>) dst(%dma_wait3A_61 : memref<512xi32, #tpu.memory_space<vmem>>)
    %dma_wait3A_63 = tpu.memref_slice %arg8[%mul3A_2] : memref<16384xf32, #tpu.memory_space<hbm>> -> memref<512xf32, #tpu.memory_space<hbm>>
    %dma_wait3A_64 = tpu.memref_slice %arg8[%mul3A_2] : memref<16384xf32, #tpu.memory_space<hbm>> -> memref<512xf32, #tpu.memory_space<hbm>>
    tpu.wait_dma2 semaphore(%arg14 : memref<!tpu.dma_semaphore, #tpu.memory_space<semaphore_mem>>) src(%dma_wait3A_64 : memref<512xf32, #tpu.memory_space<hbm>>) dst(%arg12 : memref<512xf32, #tpu.memory_space<vmem>>)
    %parallel_loop3A = arith.constant 0 : i32
    %parallel_loop3A_65 = arith.constant 32 : i32
    %parallel_loop3A_66 = arith.constant 1 : i32
    scf.for %parallel_loop3A_67 = %parallel_loop3A to %parallel_loop3A_65 step %parallel_loop3A_66  : i32 {
      %parallel_loop3A_68 = arith.constant 16 : i32
      %parallel_loop3A_69 = arith.muli %parallel_loop3A_67, %parallel_loop3A_68 : i32
      %parallel_loop3A_70 = arith.constant 0 : i32
      %parallel_loop3A_71 = arith.addi %parallel_loop3A_70, %parallel_loop3A_69 : i32
      %parallel_loop3A_72 = arith.index_cast %parallel_loop3A_71 : i32 to index
      %parallel_loop3A_73 = tpu.vector_load %arg11[%parallel_loop3A_72] {strides = array<i32>} : memref<2560xi32, #tpu.memory_space<vmem>>, vector<16xi32>,
      %parallel_loop3A_74 = arith.constant 33 : i32
      %parallel_loop3A_75 = vector.broadcast %parallel_loop3A_74 : i32 to vector<16xi32>
      %parallel_loop3A_76 = arith.muli %parallel_loop3A_73, %parallel_loop3A_75 : vector<16xi32>
      %parallel_loop3A_77 = arith.constant 0 : i32
      %parallel_loop3A_78 = vector.broadcast %parallel_loop3A_77 : i32 to vector<16xi32>
      %parallel_loop3A_79 = arith.addi %parallel_loop3A_76, %parallel_loop3A_78 : vector<16xi32>
      %parallel_loop3A_80 = arith.constant 0 : i32
      %parallel_loop3A_81 = vector.broadcast %parallel_loop3A_80 : i32 to vector<16xi32>
      %parallel_loop3A_82 = arith.addi %parallel_loop3A_79, %parallel_loop3A_81 : vector<16xi32>
      %parallel_loop3A_83 = tpu.vector_load_idx %arg10[%parallel_loop3A_82] : memref<3795xf32, #tpu.memory_space<vmem>>[vector<16xi32>], vector<16xf32>,
      %parallel_loop3A_84 = arith.constant 0 : i32
      %parallel_loop3A_85 = arith.index_cast %parallel_loop3A_84 : i32 to index
      %parallel_loop3A_86 = arith.index_cast %parallel_loop3A_69 : i32 to index
      %parallel_loop3A_87 = tpu.vector_load %arg13[%parallel_loop3A_85, %parallel_loop3A_86] {strides = array<i32>} : memref<60x512xf32, #tpu.memory_space<vmem>>, vector<16xf32>,
      tpu.vector_store %arg13[%parallel_loop3A_85, %parallel_loop3A_86], %parallel_loop3A_83 {strides = array<i32>} : memref<60x512xf32, #tpu.memory_space<vmem>>, vector<16xf32>,
      %parallel_loop3A_88 = arith.constant 1 : i32
      %parallel_loop3A_89 = vector.broadcast %parallel_loop3A_88 : i32 to vector<16xi32>
      %parallel_loop3A_90 = arith.addi %parallel_loop3A_79, %parallel_loop3A_89 : vector<16xi32>
      %parallel_loop3A_91 = tpu.vector_load_idx %arg10[%parallel_loop3A_90] : memref<3795xf32, #tpu.memory_space<vmem>>[vector<16xi32>], vector<16xf32>,
      %parallel_loop3A_92 = arith.constant 1 : i32
      %parallel_loop3A_93 = arith.index_cast %parallel_loop3A_92 : i32 to index
      %parallel_loop3A_94 = arith.index_cast %parallel_loop3A_69 : i32 to index
      %parallel_loop3A_95 = tpu.vector_load %arg13[%parallel_loop3A_93, %parallel_loop3A_94] {strides = array<i32>} : memref<60x512xf32, #tpu.memory_space<vmem>>, vector<16xf32>,
      tpu.vector_store %arg13[%parallel_loop3A_93, %parallel_loop3A_94], %parallel_loop3A_91 {strides = array<i32>} : memref<60x512xf32, #tpu.memory_space<vmem>>, vector<16xf32>,
      %parallel_loop3A_96 = arith.constant 2 : i32
      %parallel_loop3A_97 = vector.broadcast %parallel_loop3A_96 : i32 to vector<16xi32>
      %parallel_loop3A_98 = arith.addi %parallel_loop3A_79, %parallel_loop3A_97 : vector<16xi32>
      %parallel_loop3A_99 = tpu.vector_load_idx %arg10[%parallel_loop3A_98] : memref<3795xf32, #tpu.memory_space<vmem>>[vector<16xi32>], vector<16xf32>,
      %parallel_loop3A_100 = arith.constant 2 : i32
      %parallel_loop3A_101 = arith.index_cast %parallel_loop3A_100 : i32 to index
      %parallel_loop3A_102 = arith.index_cast %parallel_loop3A_69 : i32 to index
      %parallel_loop3A_103 = tpu.vector_load %arg13[%parallel_loop3A_101, %parallel_loop3A_102] {strides = array<i32>} : memref<60x512xf32, #tpu.memory_space<vmem>>, vector<16xf32>,
      tpu.vector_store %arg13[%parallel_loop3A_101, %parallel_loop3A_102], %parallel_loop3A_99 {strides = array<i32>} : memref<60x512xf32, #tpu.memory_space<vmem>>, vector<16xf32>,
      %parallel_loop3A_104 = arith.constant 3 : i32
      %parallel_loop3A_105 = vector.broadcast %parallel_loop3A_104 : i32 to vector<16xi32>
      %parallel_loop3A_106 = arith.addi %parallel_loop3A_79, %parallel_loop3A_105 : vector<16xi32>
      %parallel_loop3A_107 = tpu.vector_load_idx %arg10[%parallel_loop3A_106] : memref<3795xf32, #tpu.memory_space<vmem>>[vector<16xi32>], vector<16xf32>,
      %parallel_loop3A_108 = arith.constant 3 : i32
      %parallel_loop3A_109 = arith.index_cast %parallel_loop3A_108 : i32 to index
      %parallel_loop3A_110 = arith.index_cast %parallel_loop3A_69 : i32 to index
      %parallel_loop3A_111 = tpu.vector_load %arg13[%parallel_loop3A_109, %parallel_loop3A_110] {strides = array<i32>} : memref<60x512xf32, #tpu.memory_space<vmem>>, vector<16xf32>,
      tpu.vector_store %arg13[%parallel_loop3A_109, %parallel_loop3A_110], %parallel_loop3A_107 {strides = array<i32>} : memref<60x512xf32, #tpu.memory_space<vmem>>, vector<16xf32>,
      %parallel_loop3A_112 = arith.constant 4 : i32
      %parallel_loop3A_113 = vector.broadcast %parallel_loop3A_112 : i32 to vector<16xi32>
      %parallel_loop3A_114 = arith.addi %parallel_loop3A_79, %parallel_loop3A_113 : vector<16xi32>
      %parallel_loop3A_115 = tpu.vector_load_idx %arg10[%parallel_loop3A_114] : memref<3795xf32, #tpu.memory_space<vmem>>[vector<16xi32>], vector<16xf32>,
      %parallel_loop3A_116 = arith.constant 4 : i32
      %parallel_loop3A_117 = arith.index_cast %parallel_loop3A_116 : i32 to index
      %parallel_loop3A_118 = arith.index_cast %parallel_loop3A_69 : i32 to index
      %parallel_loop3A_119 = tpu.vector_load %arg13[%parallel_loop3A_117, %parallel_loop3A_118] {strides = array<i32>} : memref<60x512xf32, #tpu.memory_space<vmem>>, vector<16xf32>,
      tpu.vector_store %arg13[%parallel_loop3A_117, %parallel_loop3A_118], %parallel_loop3A_115 {strides = array<i32>} : memref<60x512xf32, #tpu.memory_space<vmem>>, vector<16xf32>,
      %parallel_loop3A_120 = arith.constant 5 : i32
      %parallel_loop3A_121 = vector.broadcast %parallel_loop3A_120 : i32 to vector<16xi32>
      %parallel_loop3A_122 = arith.addi %parallel_loop3A_79, %parallel_loop3A_121 : vector<16xi32>
      %parallel_loop3A_123 = tpu.vector_load_idx %arg10[%parallel_loop3A_122] : memref<3795xf32, #tpu.memory_space<vmem>>[vector<16xi32>], vector<16xf32>,
      %parallel_loop3A_124 = arith.constant 5 : i32
      %parallel_loop3A_125 = arith.index_cast %parallel_loop3A_124 : i32 to index
      %parallel_loop3A_126 = arith.index_cast %parallel_loop3A_69 : i32 to index
      %parallel_loop3A_127 = tpu.vector_load %arg13[%parallel_loop3A_125, %parallel_loop3A_126] {strides = array<i32>} : memref<60x512xf32, #tpu.memory_space<vmem>>, vector<16xf32>,
      tpu.vector_store %arg13[%parallel_loop3A_125, %parallel_loop3A_126], %parallel_loop3A_123 {strides = array<i32>} : memref<60x512xf32, #tpu.memory_space<vmem>>, vector<16xf32>,
      %parallel_loop3A_128 = arith.constant 6 : i32
      %parallel_loop3A_129 = vector.broadcast %parallel_loop3A_128 : i32 to vector<16xi32>
      %parallel_loop3A_130 = arith.addi %parallel_loop3A_79, %parallel_loop3A_129 : vector<16xi32>
      %parallel_loop3A_131 = tpu.vector_load_idx %arg10[%parallel_loop3A_130] : memref<3795xf32, #tpu.memory_space<vmem>>[vector<16xi32>], vector<16xf32>,
      %parallel_loop3A_132 = arith.constant 6 : i32
      %parallel_loop3A_133 = arith.index_cast %parallel_loop3A_132 : i32 to index
      %parallel_loop3A_134 = arith.index_cast %parallel_loop3A_69 : i32 to index
      %parallel_loop3A_135 = tpu.vector_load %arg13[%parallel_loop3A_133, %parallel_loop3A_134] {strides = array<i32>} : memref<60x512xf32, #tpu.memory_space<vmem>>, vector<16xf32>,
      tpu.vector_store %arg13[%parallel_loop3A_133, %parallel_loop3A_134], %parallel_loop3A_131 {strides = array<i32>} : memref<60x512xf32, #tpu.memory_space<vmem>>, vector<16xf32>,
      %parallel_loop3A_136 = arith.constant 512 : i32
      %parallel_loop3A_137 = arith.addi %parallel_loop3A_136, %parallel_loop3A_69 : i32
      %parallel_loop3A_138 = arith.index_cast %parallel_loop3A_137 : i32 to index
      %parallel_loop3A_139 = tpu.vector_load %arg11[%parallel_loop3A_138] {strides = array<i32>} : memref<2560xi32, #tpu.memory_space<vmem>>, vector<16xi32>,
      %parallel_loop3A_140 = arith.constant 33 : i32
      %parallel_loop3A_141 = vector.broadcast %parallel_loop3A_140 : i32 to vector<16xi32>
      %parallel_loop3A_142 = arith.muli %parallel_loop3A_139, %parallel_loop3A_141 : vector<16xi32>
      %parallel_loop3A_143 = arith.constant 429 : i32
      %parallel_loop3A_144 = vector.broadcast %parallel_loop3A_143 : i32 to vector<16xi32>
      %parallel_loop3A_145 = arith.addi %parallel_loop3A_142, %parallel_loop3A_144 : vector<16xi32>
      %parallel_loop3A_146 = arith.constant 0 : i32
      %parallel_loop3A_147 = vector.broadcast %parallel_loop3A_146 : i32 to vector<16xi32>
      %parallel_loop3A_148 = arith.addi %parallel_loop3A_145, %parallel_loop3A_147 : vector<16xi32>
      %parallel_loop3A_149 = tpu.vector_load_idx %arg10[%parallel_loop3A_148] : memref<3795xf32, #tpu.memory_space<vmem>>[vector<16xi32>], vector<16xf32>,
      %parallel_loop3A_150 = arith.constant 7 : i32
      %parallel_loop3A_151 = arith.index_cast %parallel_loop3A_150 : i32 to index
      %parallel_loop3A_152 = arith.index_cast %parallel_loop3A_69 : i32 to index
      %parallel_loop3A_153 = tpu.vector_load %arg13[%parallel_loop3A_151, %parallel_loop3A_152] {strides = array<i32>} : memref<60x512xf32, #tpu.memory_space<vmem>>, vector<16xf32>,
      tpu.vector_store %arg13[%parallel_loop3A_151, %parallel_loop3A_152], %parallel_loop3A_149 {strides = array<i32>} : memref<60x512xf32, #tpu.memory_space<vmem>>, vector<16xf32>,
      %parallel_loop3A_154 = arith.constant 1 : i32
      %parallel_loop3A_155 = vector.broadcast %parallel_loop3A_154 : i32 to vector<16xi32>
      %parallel_loop3A_156 = arith.addi %parallel_loop3A_145, %parallel_loop3A_155 : vector<16xi32>
      %parallel_loop3A_157 = tpu.vector_load_idx %arg10[%parallel_loop3A_156] : memref<3795xf32, #tpu.memory_space<vmem>>[vector<16xi32>], vector<16xf32>,
      %parallel_loop3A_158 = arith.constant 8 : i32
      %parallel_loop3A_159 = arith.index_cast %parallel_loop3A_158 : i32 to index
      %parallel_loop3A_160 = arith.index_cast %parallel_loop3A_69 : i32 to index
      %parallel_loop3A_161 = tpu.vector_load %arg13[%parallel_loop3A_159, %parallel_loop3A_160] {strides = array<i32>} : memref<60x512xf32, #tpu.memory_space<vmem>>, vector<16xf32>,
      tpu.vector_store %arg13[%parallel_loop3A_159, %parallel_loop3A_160], %parallel_loop3A_157 {strides = array<i32>} : memref<60x512xf32, #tpu.memory_space<vmem>>, vector<16xf32>,
      %parallel_loop3A_162 = arith.constant 2 : i32
      %parallel_loop3A_163 = vector.broadcast %parallel_loop3A_162 : i32 to vector<16xi32>
      %parallel_loop3A_164 = arith.addi %parallel_loop3A_145, %parallel_loop3A_163 : vector<16xi32>
      %parallel_loop3A_165 = tpu.vector_load_idx %arg10[%parallel_loop3A_164] : memref<3795xf32, #tpu.memory_space<vmem>>[vector<16xi32>], vector<16xf32>,
      %parallel_loop3A_166 = arith.constant 9 : i32
      %parallel_loop3A_167 = arith.index_cast %parallel_loop3A_166 : i32 to index
      %parallel_loop3A_168 = arith.index_cast %parallel_loop3A_69 : i32 to index
      %parallel_loop3A_169 = tpu.vector_load %arg13[%parallel_loop3A_167, %parallel_loop3A_168] {strides = array<i32>} : memref<60x512xf32, #tpu.memory_space<vmem>>, vector<16xf32>,
      tpu.vector_store %arg13[%parallel_loop3A_167, %parallel_loop3A_168], %parallel_loop3A_165 {strides = array<i32>} : memref<60x512xf32, #tpu.memory_space<vmem>>, vector<16xf32>,
      %parallel_loop3A_170 = arith.constant 3 : i32
      %parallel_loop3A_171 = vector.broadcast %parallel_loop3A_170 : i32 to vector<16xi32>
      %parallel_loop3A_172 = arith.addi %parallel_loop3A_145, %parallel_loop3A_171 : vector<16xi32>
      %parallel_loop3A_173 = tpu.vector_load_idx %arg10[%parallel_loop3A_172] : memref<3795xf32, #tpu.memory_space<vmem>>[vector<16xi32>], vector<16xf32>,
      %parallel_loop3A_174 = arith.constant 10 : i32
      %parallel_loop3A_175 = arith.index_cast %parallel_loop3A_174 : i32 to index
      %parallel_loop3A_176 = arith.index_cast %parallel_loop3A_69 : i32 to index
      %parallel_loop3A_177 = tpu.vector_load %arg13[%parallel_loop3A_175, %parallel_loop3A_176] {strides = array<i32>} : memref<60x512xf32, #tpu.memory_space<vmem>>, vector<16xf32>,
      tpu.vector_store %arg13[%parallel_loop3A_175, %parallel_loop3A_176], %parallel_loop3A_173 {strides = array<i32>} : memref<60x512xf32, #tpu.memory_space<vmem>>, vector<16xf32>,
      %parallel_loop3A_178 = arith.constant 4 : i32
      %parallel_loop3A_179 = vector.broadcast %parallel_loop3A_178 : i32 to vector<16xi32>
      %parallel_loop3A_180 = arith.addi %parallel_loop3A_145, %parallel_loop3A_179 : vector<16xi32>
      %parallel_loop3A_181 = tpu.vector_load_idx %arg10[%parallel_loop3A_180] : memref<3795xf32, #tpu.memory_space<vmem>>[vector<16xi32>], vector<16xf32>,
      %parallel_loop3A_182 = arith.constant 11 : i32
      %parallel_loop3A_183 = arith.index_cast %parallel_loop3A_182 : i32 to index
      %parallel_loop3A_184 = arith.index_cast %parallel_loop3A_69 : i32 to index
      %parallel_loop3A_185 = tpu.vector_load %arg13[%parallel_loop3A_183, %parallel_loop3A_184] {strides = array<i32>} : memref<60x512xf32, #tpu.memory_space<vmem>>, vector<16xf32>,
      tpu.vector_store %arg13[%parallel_loop3A_183, %parallel_loop3A_184], %parallel_loop3A_181 {strides = array<i32>} : memref<60x512xf32, #tpu.memory_space<vmem>>, vector<16xf32>,
      %parallel_loop3A_186 = arith.constant 5 : i32
      %parallel_loop3A_187 = vector.broadcast %parallel_loop3A_186 : i32 to vector<16xi32>
      %parallel_loop3A_188 = arith.addi %parallel_loop3A_145, %parallel_loop3A_187 : vector<16xi32>
      %parallel_loop3A_189 = tpu.vector_load_idx %arg10[%parallel_loop3A_188] : memref<3795xf32, #tpu.memory_space<vmem>>[vector<16xi32>], vector<16xf32>,
      %parallel_loop3A_190 = arith.constant 12 : i32
      %parallel_loop3A_191 = arith.index_cast %parallel_loop3A_190 : i32 to index
      %parallel_loop3A_192 = arith.index_cast %parallel_loop3A_69 : i32 to index
      %parallel_loop3A_193 = tpu.vector_load %arg13[%parallel_loop3A_191, %parallel_loop3A_192] {strides = array<i32>} : memref<60x512xf32, #tpu.memory_space<vmem>>, vector<16xf32>,
      tpu.vector_store %arg13[%parallel_loop3A_191, %parallel_loop3A_192], %parallel_loop3A_189 {strides = array<i32>} : memref<60x512xf32, #tpu.memory_space<vmem>>, vector<16xf32>,
      %parallel_loop3A_194 = arith.constant 6 : i32
      %parallel_loop3A_195 = vector.broadcast %parallel_loop3A_194 : i32 to vector<16xi32>
      %parallel_loop3A_196 = arith.addi %parallel_loop3A_145, %parallel_loop3A_195 : vector<16xi32>
      %parallel_loop3A_197 = tpu.vector_load_idx %arg10[%parallel_loop3A_196] : memref<3795xf32, #tpu.memory_space<vmem>>[vector<16xi32>], vector<16xf32>,
      %parallel_loop3A_198 = arith.constant 13 : i32
      %parallel_loop3A_199 = arith.index_cast %parallel_loop3A_198 : i32 to index
      %parallel_loop3A_200 = arith.index_cast %parallel_loop3A_69 : i32 to index
      %parallel_loop3A_201 = tpu.vector_load %arg13[%parallel_loop3A_199, %parallel_loop3A_200] {strides = array<i32>} : memref<60x512xf32, #tpu.memory_space<vmem>>, vector<16xf32>,
      tpu.vector_store %arg13[%parallel_loop3A_199, %parallel_loop3A_200], %parallel_loop3A_197 {strides = array<i32>} : memref<60x512xf32, #tpu.memory_space<vmem>>, vector<16xf32>,
      %parallel_loop3A_202 = arith.constant 7 : i32
      %parallel_loop3A_203 = vector.broadcast %parallel_loop3A_202 : i32 to vector<16xi32>
      %parallel_loop3A_204 = arith.addi %parallel_loop3A_145, %parallel_loop3A_203 : vector<16xi32>
      %parallel_loop3A_205 = tpu.vector_load_idx %arg10[%parallel_loop3A_204] : memref<3795xf32, #tpu.memory_space<vmem>>[vector<16xi32>], vector<16xf32>,
      %parallel_loop3A_206 = arith.constant 14 : i32
      %parallel_loop3A_207 = arith.index_cast %parallel_loop3A_206 : i32 to index
      %parallel_loop3A_208 = arith.index_cast %parallel_loop3A_69 : i32 to index
      %parallel_loop3A_209 = tpu.vector_load %arg13[%parallel_loop3A_207, %parallel_loop3A_208] {strides = array<i32>} : memref<60x512xf32, #tpu.memory_space<vmem>>, vector<16xf32>,
      tpu.vector_store %arg13[%parallel_loop3A_207, %parallel_loop3A_208], %parallel_loop3A_205 {strides = array<i32>} : memref<60x512xf32, #tpu.memory_space<vmem>>, vector<16xf32>,
      %parallel_loop3A_210 = arith.constant 8 : i32
      %parallel_loop3A_211 = vector.broadcast %parallel_loop3A_210 : i32 to vector<16xi32>
      %parallel_loop3A_212 = arith.addi %parallel_loop3A_145, %parallel_loop3A_211 : vector<16xi32>
      %parallel_loop3A_213 = tpu.vector_load_idx %arg10[%parallel_loop3A_212] : memref<3795xf32, #tpu.memory_space<vmem>>[vector<16xi32>], vector<16xf32>,
      %parallel_loop3A_214 = arith.constant 15 : i32
      %parallel_loop3A_215 = arith.index_cast %parallel_loop3A_214 : i32 to index
      %parallel_loop3A_216 = arith.index_cast %parallel_loop3A_69 : i32 to index
      %parallel_loop3A_217 = tpu.vector_load %arg13[%parallel_loop3A_215, %parallel_loop3A_216] {strides = array<i32>} : memref<60x512xf32, #tpu.memory_space<vmem>>, vector<16xf32>,
      tpu.vector_store %arg13[%parallel_loop3A_215, %parallel_loop3A_216], %parallel_loop3A_213 {strides = array<i32>} : memref<60x512xf32, #tpu.memory_space<vmem>>, vector<16xf32>,
      %parallel_loop3A_218 = arith.constant 9 : i32
      %parallel_loop3A_219 = vector.broadcast %parallel_loop3A_218 : i32 to vector<16xi32>
      %parallel_loop3A_220 = arith.addi %parallel_loop3A_145, %parallel_loop3A_219 : vector<16xi32>
      %parallel_loop3A_221 = tpu.vector_load_idx %arg10[%parallel_loop3A_220] : memref<3795xf32, #tpu.memory_space<vmem>>[vector<16xi32>], vector<16xf32>,
      %parallel_loop3A_222 = arith.constant 16 : i32
      %parallel_loop3A_223 = arith.index_cast %parallel_loop3A_222 : i32 to index
      %parallel_loop3A_224 = arith.index_cast %parallel_loop3A_69 : i32 to index
      %parallel_loop3A_225 = tpu.vector_load %arg13[%parallel_loop3A_223, %parallel_loop3A_224] {strides = array<i32>} : memref<60x512xf32, #tpu.memory_space<vmem>>, vector<16xf32>,
      tpu.vector_store %arg13[%parallel_loop3A_223, %parallel_loop3A_224], %parallel_loop3A_221 {strides = array<i32>} : memref<60x512xf32, #tpu.memory_space<vmem>>, vector<16xf32>,
      %parallel_loop3A_226 = arith.constant 10 : i32
      %parallel_loop3A_227 = vector.broadcast %parallel_loop3A_226 : i32 to vector<16xi32>
      %parallel_loop3A_228 = arith.addi %parallel_loop3A_145, %parallel_loop3A_227 : vector<16xi32>
      %parallel_loop3A_229 = tpu.vector_load_idx %arg10[%parallel_loop3A_228] : memref<3795xf32, #tpu.memory_space<vmem>>[vector<16xi32>], vector<16xf32>,
      %parallel_loop3A_230 = arith.constant 17 : i32
      %parallel_loop3A_231 = arith.index_cast %parallel_loop3A_230 : i32 to index
      %parallel_loop3A_232 = arith.index_cast %parallel_loop3A_69 : i32 to index
      %parallel_loop3A_233 = tpu.vector_load %arg13[%parallel_loop3A_231, %parallel_loop3A_232] {strides = array<i32>} : memref<60x512xf32, #tpu.memory_space<vmem>>, vector<16xf32>,
      tpu.vector_store %arg13[%parallel_loop3A_231, %parallel_loop3A_232], %parallel_loop3A_229 {strides = array<i32>} : memref<60x512xf32, #tpu.memory_space<vmem>>, vector<16xf32>,
      %parallel_loop3A_234 = arith.constant 11 : i32
      %parallel_loop3A_235 = vector.broadcast %parallel_loop3A_234 : i32 to vector<16xi32>
      %parallel_loop3A_236 = arith.addi %parallel_loop3A_145, %parallel_loop3A_235 : vector<16xi32>
      %parallel_loop3A_237 = tpu.vector_load_idx %arg10[%parallel_loop3A_236] : memref<3795xf32, #tpu.memory_space<vmem>>[vector<16xi32>], vector<16xf32>,
      %parallel_loop3A_238 = arith.constant 18 : i32
      %parallel_loop3A_239 = arith.index_cast %parallel_loop3A_238 : i32 to index
      %parallel_loop3A_240 = arith.index_cast %parallel_loop3A_69 : i32 to index
      %parallel_loop3A_241 = tpu.vector_load %arg13[%parallel_loop3A_239, %parallel_loop3A_240] {strides = array<i32>} : memref<60x512xf32, #tpu.memory_space<vmem>>, vector<16xf32>,
      tpu.vector_store %arg13[%parallel_loop3A_239, %parallel_loop3A_240], %parallel_loop3A_237 {strides = array<i32>} : memref<60x512xf32, #tpu.memory_space<vmem>>, vector<16xf32>,
      %parallel_loop3A_242 = arith.constant 12 : i32
      %parallel_loop3A_243 = vector.broadcast %parallel_loop3A_242 : i32 to vector<16xi32>
      %parallel_loop3A_244 = arith.addi %parallel_loop3A_145, %parallel_loop3A_243 : vector<16xi32>
      %parallel_loop3A_245 = tpu.vector_load_idx %arg10[%parallel_loop3A_244] : memref<3795xf32, #tpu.memory_space<vmem>>[vector<16xi32>], vector<16xf32>,
      %parallel_loop3A_246 = arith.constant 19 : i32
      %parallel_loop3A_247 = arith.index_cast %parallel_loop3A_246 : i32 to index
      %parallel_loop3A_248 = arith.index_cast %parallel_loop3A_69 : i32 to index
      %parallel_loop3A_249 = tpu.vector_load %arg13[%parallel_loop3A_247, %parallel_loop3A_248] {strides = array<i32>} : memref<60x512xf32, #tpu.memory_space<vmem>>, vector<16xf32>,
      tpu.vector_store %arg13[%parallel_loop3A_247, %parallel_loop3A_248], %parallel_loop3A_245 {strides = array<i32>} : memref<60x512xf32, #tpu.memory_space<vmem>>, vector<16xf32>,
      %parallel_loop3A_250 = arith.constant 13 : i32
      %parallel_loop3A_251 = vector.broadcast %parallel_loop3A_250 : i32 to vector<16xi32>
      %parallel_loop3A_252 = arith.addi %parallel_loop3A_145, %parallel_loop3A_251 : vector<16xi32>
      %parallel_loop3A_253 = tpu.vector_load_idx %arg10[%parallel_loop3A_252] : memref<3795xf32, #tpu.memory_space<vmem>>[vector<16xi32>], vector<16xf32>,
      %parallel_loop3A_254 = arith.constant 20 : i32
      %parallel_loop3A_255 = arith.index_cast %parallel_loop3A_254 : i32 to index
      %parallel_loop3A_256 = arith.index_cast %parallel_loop3A_69 : i32 to index
      %parallel_loop3A_257 = tpu.vector_load %arg13[%parallel_loop3A_255, %parallel_loop3A_256] {strides = array<i32>} : memref<60x512xf32, #tpu.memory_space<vmem>>, vector<16xf32>,
      tpu.vector_store %arg13[%parallel_loop3A_255, %parallel_loop3A_256], %parallel_loop3A_253 {strides = array<i32>} : memref<60x512xf32, #tpu.memory_space<vmem>>, vector<16xf32>,
      %parallel_loop3A_258 = arith.constant 14 : i32
      %parallel_loop3A_259 = vector.broadcast %parallel_loop3A_258 : i32 to vector<16xi32>
      %parallel_loop3A_260 = arith.addi %parallel_loop3A_145, %parallel_loop3A_259 : vector<16xi32>
      %parallel_loop3A_261 = tpu.vector_load_idx %arg10[%parallel_loop3A_260] : memref<3795xf32, #tpu.memory_space<vmem>>[vector<16xi32>], vector<16xf32>,
      %parallel_loop3A_262 = arith.constant 21 : i32
      %parallel_loop3A_263 = arith.index_cast %parallel_loop3A_262 : i32 to index
      %parallel_loop3A_264 = arith.index_cast %parallel_loop3A_69 : i32 to index
      %parallel_loop3A_265 = tpu.vector_load %arg13[%parallel_loop3A_263, %parallel_loop3A_264] {strides = array<i32>} : memref<60x512xf32, #tpu.memory_space<vmem>>, vector<16xf32>,
      tpu.vector_store %arg13[%parallel_loop3A_263, %parallel_loop3A_264], %parallel_loop3A_261 {strides = array<i32>} : memref<60x512xf32, #tpu.memory_space<vmem>>, vector<16xf32>,
      %parallel_loop3A_266 = arith.constant 15 : i32
      %parallel_loop3A_267 = vector.broadcast %parallel_loop3A_266 : i32 to vector<16xi32>
      %parallel_loop3A_268 = arith.addi %parallel_loop3A_145, %parallel_loop3A_267 : vector<16xi32>
      %parallel_loop3A_269 = tpu.vector_load_idx %arg10[%parallel_loop3A_268] : memref<3795xf32, #tpu.memory_space<vmem>>[vector<16xi32>], vector<16xf32>,
      %parallel_loop3A_270 = arith.constant 22 : i32
      %parallel_loop3A_271 = arith.index_cast %parallel_loop3A_270 : i32 to index
      %parallel_loop3A_272 = arith.index_cast %parallel_loop3A_69 : i32 to index
      %parallel_loop3A_273 = tpu.vector_load %arg13[%parallel_loop3A_271, %parallel_loop3A_272] {strides = array<i32>} : memref<60x512xf32, #tpu.memory_space<vmem>>, vector<16xf32>,
      tpu.vector_store %arg13[%parallel_loop3A_271, %parallel_loop3A_272], %parallel_loop3A_269 {strides = array<i32>} : memref<60x512xf32, #tpu.memory_space<vmem>>, vector<16xf32>,
      %parallel_loop3A_274 = arith.constant 1024 : i32
      %parallel_loop3A_275 = arith.addi %parallel_loop3A_274, %parallel_loop3A_69 : i32
      %parallel_loop3A_276 = arith.index_cast %parallel_loop3A_275 : i32 to index
      %parallel_loop3A_277 = tpu.vector_load %arg11[%parallel_loop3A_276] {strides = array<i32>} : memref<2560xi32, #tpu.memory_space<vmem>>, vector<16xi32>,
      %parallel_loop3A_278 = arith.constant 33 : i32
      %parallel_loop3A_279 = vector.broadcast %parallel_loop3A_278 : i32 to vector<16xi32>
      %parallel_loop3A_280 = arith.muli %parallel_loop3A_277, %parallel_loop3A_279 : vector<16xi32>
      %parallel_loop3A_281 = arith.constant 1485 : i32
      %parallel_loop3A_282 = vector.broadcast %parallel_loop3A_281 : i32 to vector<16xi32>
      %parallel_loop3A_283 = arith.addi %parallel_loop3A_280, %parallel_loop3A_282 : vector<16xi32>
      %parallel_loop3A_284 = arith.constant 0 : i32
      %parallel_loop3A_285 = vector.broadcast %parallel_loop3A_284 : i32 to vector<16xi32>
      %parallel_loop3A_286 = arith.addi %parallel_loop3A_283, %parallel_loop3A_285 : vector<16xi32>
      %parallel_loop3A_287 = tpu.vector_load_idx %arg10[%parallel_loop3A_286] : memref<3795xf32, #tpu.memory_space<vmem>>[vector<16xi32>], vector<16xf32>,
      %parallel_loop3A_288 = arith.constant 23 : i32
      %parallel_loop3A_289 = arith.index_cast %parallel_loop3A_288 : i32 to index
      %parallel_loop3A_290 = arith.index_cast %parallel_loop3A_69 : i32 to index
      %parallel_loop3A_291 = tpu.vector_load %arg13[%parallel_loop3A_289, %parallel_loop3A_290] {strides = array<i32>} : memref<60x512xf32, #tpu.memory_space<vmem>>, vector<16xf32>,
      tpu.vector_store %arg13[%parallel_loop3A_289, %parallel_loop3A_290], %parallel_loop3A_287 {strides = array<i32>} : memref<60x512xf32, #tpu.memory_space<vmem>>, vector<16xf32>,
      %parallel_loop3A_292 = arith.constant 1 : i32
      %parallel_loop3A_293 = vector.broadcast %parallel_loop3A_292 : i32 to vector<16xi32>
      %parallel_loop3A_294 = arith.addi %parallel_loop3A_283, %parallel_loop3A_293 : vector<16xi32>
      %parallel_loop3A_295 = tpu.vector_load_idx %arg10[%parallel_loop3A_294] : memref<3795xf32, #tpu.memory_space<vmem>>[vector<16xi32>], vector<16xf32>,
      %parallel_loop3A_296 = arith.constant 24 : i32
      %parallel_loop3A_297 = arith.index_cast %parallel_loop3A_296 : i32 to index
      %parallel_loop3A_298 = arith.index_cast %parallel_loop3A_69 : i32 to index
      %parallel_loop3A_299 = tpu.vector_load %arg13[%parallel_loop3A_297, %parallel_loop3A_298] {strides = array<i32>} : memref<60x512xf32, #tpu.memory_space<vmem>>, vector<16xf32>,
      tpu.vector_store %arg13[%parallel_loop3A_297, %parallel_loop3A_298], %parallel_loop3A_295 {strides = array<i32>} : memref<60x512xf32, #tpu.memory_space<vmem>>, vector<16xf32>,
      %parallel_loop3A_300 = arith.constant 2 : i32
      %parallel_loop3A_301 = vector.broadcast %parallel_loop3A_300 : i32 to vector<16xi32>
      %parallel_loop3A_302 = arith.addi %parallel_loop3A_283, %parallel_loop3A_301 : vector<16xi32>
      %parallel_loop3A_303 = tpu.vector_load_idx %arg10[%parallel_loop3A_302] : memref<3795xf32, #tpu.memory_space<vmem>>[vector<16xi32>], vector<16xf32>,
      %parallel_loop3A_304 = arith.constant 25 : i32
      %parallel_loop3A_305 = arith.index_cast %parallel_loop3A_304 : i32 to index
      %parallel_loop3A_306 = arith.index_cast %parallel_loop3A_69 : i32 to index
      %parallel_loop3A_307 = tpu.vector_load %arg13[%parallel_loop3A_305, %parallel_loop3A_306] {strides = array<i32>} : memref<60x512xf32, #tpu.memory_space<vmem>>, vector<16xf32>,
      tpu.vector_store %arg13[%parallel_loop3A_305, %parallel_loop3A_306], %parallel_loop3A_303 {strides = array<i32>} : memref<60x512xf32, #tpu.memory_space<vmem>>, vector<16xf32>,
      %parallel_loop3A_308 = arith.constant 3 : i32
      %parallel_loop3A_309 = vector.broadcast %parallel_loop3A_308 : i32 to vector<16xi32>
      %parallel_loop3A_310 = arith.addi %parallel_loop3A_283, %parallel_loop3A_309 : vector<16xi32>
      %parallel_loop3A_311 = tpu.vector_load_idx %arg10[%parallel_loop3A_310] : memref<3795xf32, #tpu.memory_space<vmem>>[vector<16xi32>], vector<16xf32>,
      %parallel_loop3A_312 = arith.constant 26 : i32
      %parallel_loop3A_313 = arith.index_cast %parallel_loop3A_312 : i32 to index
      %parallel_loop3A_314 = arith.index_cast %parallel_loop3A_69 : i32 to index
      %parallel_loop3A_315 = tpu.vector_load %arg13[%parallel_loop3A_313, %parallel_loop3A_314] {strides = array<i32>} : memref<60x512xf32, #tpu.memory_space<vmem>>, vector<16xf32>,
      tpu.vector_store %arg13[%parallel_loop3A_313, %parallel_loop3A_314], %parallel_loop3A_311 {strides = array<i32>} : memref<60x512xf32, #tpu.memory_space<vmem>>, vector<16xf32>,
      %parallel_loop3A_316 = arith.constant 1536 : i32
      %parallel_loop3A_317 = arith.addi %parallel_loop3A_316, %parallel_loop3A_69 : i32
      %parallel_loop3A_318 = arith.index_cast %parallel_loop3A_317 : i32 to index
      %parallel_loop3A_319 = tpu.vector_load %arg11[%parallel_loop3A_318] {strides = array<i32>} : memref<2560xi32, #tpu.memory_space<vmem>>, vector<16xi32>,
      %parallel_loop3A_320 = arith.constant 33 : i32
      %parallel_loop3A_321 = vector.broadcast %parallel_loop3A_320 : i32 to vector<16xi32>
      %parallel_loop3A_322 = arith.muli %parallel_loop3A_319, %parallel_loop3A_321 : vector<16xi32>
      %parallel_loop3A_323 = arith.constant 1749 : i32
      %parallel_loop3A_324 = vector.broadcast %parallel_loop3A_323 : i32 to vector<16xi32>
      %parallel_loop3A_325 = arith.addi %parallel_loop3A_322, %parallel_loop3A_324 : vector<16xi32>
      %parallel_loop3A_326 = arith.constant 0 : i32
      %parallel_loop3A_327 = vector.broadcast %parallel_loop3A_326 : i32 to vector<16xi32>
      %parallel_loop3A_328 = arith.addi %parallel_loop3A_325, %parallel_loop3A_327 : vector<16xi32>
      %parallel_loop3A_329 = tpu.vector_load_idx %arg10[%parallel_loop3A_328] : memref<3795xf32, #tpu.memory_space<vmem>>[vector<16xi32>], vector<16xf32>,
      %parallel_loop3A_330 = arith.constant 27 : i32
      %parallel_loop3A_331 = arith.index_cast %parallel_loop3A_330 : i32 to index
      %parallel_loop3A_332 = arith.index_cast %parallel_loop3A_69 : i32 to index
      %parallel_loop3A_333 = tpu.vector_load %arg13[%parallel_loop3A_331, %parallel_loop3A_332] {strides = array<i32>} : memref<60x512xf32, #tpu.memory_space<vmem>>, vector<16xf32>,
      tpu.vector_store %arg13[%parallel_loop3A_331, %parallel_loop3A_332], %parallel_loop3A_329 {strides = array<i32>} : memref<60x512xf32, #tpu.memory_space<vmem>>, vector<16xf32>,
      %parallel_loop3A_334 = arith.constant 1 : i32
      %parallel_loop3A_335 = vector.broadcast %parallel_loop3A_334 : i32 to vector<16xi32>
      %parallel_loop3A_336 = arith.addi %parallel_loop3A_325, %parallel_loop3A_335 : vector<16xi32>
      %parallel_loop3A_337 = tpu.vector_load_idx %arg10[%parallel_loop3A_336] : memref<3795xf32, #tpu.memory_space<vmem>>[vector<16xi32>], vector<16xf32>,
      %parallel_loop3A_338 = arith.constant 28 : i32
      %parallel_loop3A_339 = arith.index_cast %parallel_loop3A_338 : i32 to index
      %parallel_loop3A_340 = arith.index_cast %parallel_loop3A_69 : i32 to index
      %parallel_loop3A_341 = tpu.vector_load %arg13[%parallel_loop3A_339, %parallel_loop3A_340] {strides = array<i32>} : memref<60x512xf32, #tpu.memory_space<vmem>>, vector<16xf32>,
      tpu.vector_store %arg13[%parallel_loop3A_339, %parallel_loop3A_340], %parallel_loop3A_337 {strides = array<i32>} : memref<60x512xf32, #tpu.memory_space<vmem>>, vector<16xf32>,
      %parallel_loop3A_342 = arith.constant 2 : i32
      %parallel_loop3A_343 = vector.broadcast %parallel_loop3A_342 : i32 to vector<16xi32>
      %parallel_loop3A_344 = arith.addi %parallel_loop3A_325, %parallel_loop3A_343 : vector<16xi32>
      %parallel_loop3A_345 = tpu.vector_load_idx %arg10[%parallel_loop3A_344] : memref<3795xf32, #tpu.memory_space<vmem>>[vector<16xi32>], vector<16xf32>,
      %parallel_loop3A_346 = arith.constant 29 : i32
      %parallel_loop3A_347 = arith.index_cast %parallel_loop3A_346 : i32 to index
      %parallel_loop3A_348 = arith.index_cast %parallel_loop3A_69 : i32 to index
      %parallel_loop3A_349 = tpu.vector_load %arg13[%parallel_loop3A_347, %parallel_loop3A_348] {strides = array<i32>} : memref<60x512xf32, #tpu.memory_space<vmem>>, vector<16xf32>,
      tpu.vector_store %arg13[%parallel_loop3A_347, %parallel_loop3A_348], %parallel_loop3A_345 {strides = array<i32>} : memref<60x512xf32, #tpu.memory_space<vmem>>, vector<16xf32>,
      %parallel_loop3A_350 = arith.constant 3 : i32
      %parallel_loop3A_351 = vector.broadcast %parallel_loop3A_350 : i32 to vector<16xi32>
      %parallel_loop3A_352 = arith.addi %parallel_loop3A_325, %parallel_loop3A_351 : vector<16xi32>
      %parallel_loop3A_353 = tpu.vector_load_idx %arg10[%parallel_loop3A_352] : memref<3795xf32, #tpu.memory_space<vmem>>[vector<16xi32>], vector<16xf32>,
      %parallel_loop3A_354 = arith.constant 30 : i32
      %parallel_loop3A_355 = arith.index_cast %parallel_loop3A_354 : i32 to index
      %parallel_loop3A_356 = arith.index_cast %parallel_loop3A_69 : i32 to index
      %parallel_loop3A_357 = tpu.vector_load %arg13[%parallel_loop3A_355, %parallel_loop3A_356] {strides = array<i32>} : memref<60x512xf32, #tpu.memory_space<vmem>>, vector<16xf32>,
      tpu.vector_store %arg13[%parallel_loop3A_355, %parallel_loop3A_356], %parallel_loop3A_353 {strides = array<i32>} : memref<60x512xf32, #tpu.memory_space<vmem>>, vector<16xf32>,
      %parallel_loop3A_358 = arith.constant 4 : i32
      %parallel_loop3A_359 = vector.broadcast %parallel_loop3A_358 : i32 to vector<16xi32>
      %parallel_loop3A_360 = arith.addi %parallel_loop3A_325, %parallel_loop3A_359 : vector<16xi32>
      %parallel_loop3A_361 = tpu.vector_load_idx %arg10[%parallel_loop3A_360] : memref<3795xf32, #tpu.memory_space<vmem>>[vector<16xi32>], vector<16xf32>,
      %parallel_loop3A_362 = arith.constant 31 : i32
      %parallel_loop3A_363 = arith.index_cast %parallel_loop3A_362 : i32 to index
      %parallel_loop3A_364 = arith.index_cast %parallel_loop3A_69 : i32 to index
      %parallel_loop3A_365 = tpu.vector_load %arg13[%parallel_loop3A_363, %parallel_loop3A_364] {strides = array<i32>} : memref<60x512xf32, #tpu.memory_space<vmem>>, vector<16xf32>,
      tpu.vector_store %arg13[%parallel_loop3A_363, %parallel_loop3A_364], %parallel_loop3A_361 {strides = array<i32>} : memref<60x512xf32, #tpu.memory_space<vmem>>, vector<16xf32>,
      %parallel_loop3A_366 = arith.constant 5 : i32
      %parallel_loop3A_367 = vector.broadcast %parallel_loop3A_366 : i32 to vector<16xi32>
      %parallel_loop3A_368 = arith.addi %parallel_loop3A_325, %parallel_loop3A_367 : vector<16xi32>
      %parallel_loop3A_369 = tpu.vector_load_idx %arg10[%parallel_loop3A_368] : memref<3795xf32, #tpu.memory_space<vmem>>[vector<16xi32>], vector<16xf32>,
      %parallel_loop3A_370 = arith.constant 32 : i32
      %parallel_loop3A_371 = arith.index_cast %parallel_loop3A_370 : i32 to index
      %parallel_loop3A_372 = arith.index_cast %parallel_loop3A_69 : i32 to index
      %parallel_loop3A_373 = tpu.vector_load %arg13[%parallel_loop3A_371, %parallel_loop3A_372] {strides = array<i32>} : memref<60x512xf32, #tpu.memory_space<vmem>>, vector<16xf32>,
      tpu.vector_store %arg13[%parallel_loop3A_371, %parallel_loop3A_372], %parallel_loop3A_369 {strides = array<i32>} : memref<60x512xf32, #tpu.memory_space<vmem>>, vector<16xf32>,
      %parallel_loop3A_374 = arith.constant 2048 : i32
      %parallel_loop3A_375 = arith.addi %parallel_loop3A_374, %parallel_loop3A_69 : i32
      %parallel_loop3A_376 = arith.index_cast %parallel_loop3A_375 : i32 to index
      %parallel_loop3A_377 = tpu.vector_load %arg11[%parallel_loop3A_376] {strides = array<i32>} : memref<2560xi32, #tpu.memory_space<vmem>>, vector<16xi32>,
      %parallel_loop3A_378 = arith.constant 33 : i32
      %parallel_loop3A_379 = vector.broadcast %parallel_loop3A_378 : i32 to vector<16xi32>
      %parallel_loop3A_380 = arith.muli %parallel_loop3A_377, %parallel_loop3A_379 : vector<16xi32>
      %parallel_loop3A_381 = arith.constant 2112 : i32
      %parallel_loop3A_382 = vector.broadcast %parallel_loop3A_381 : i32 to vector<16xi32>
      %parallel_loop3A_383 = arith.addi %parallel_loop3A_380, %parallel_loop3A_382 : vector<16xi32>
      %parallel_loop3A_384 = arith.constant 0 : i32
      %parallel_loop3A_385 = vector.broadcast %parallel_loop3A_384 : i32 to vector<16xi32>
      %parallel_loop3A_386 = arith.addi %parallel_loop3A_383, %parallel_loop3A_385 : vector<16xi32>
      %parallel_loop3A_387 = tpu.vector_load_idx %arg10[%parallel_loop3A_386] : memref<3795xf32, #tpu.memory_space<vmem>>[vector<16xi32>], vector<16xf32>,
      %parallel_loop3A_388 = arith.constant 33 : i32
      %parallel_loop3A_389 = arith.index_cast %parallel_loop3A_388 : i32 to index
      %parallel_loop3A_390 = arith.index_cast %parallel_loop3A_69 : i32 to index
      %parallel_loop3A_391 = tpu.vector_load %arg13[%parallel_loop3A_389, %parallel_loop3A_390] {strides = array<i32>} : memref<60x512xf32, #tpu.memory_space<vmem>>, vector<16xf32>,
      tpu.vector_store %arg13[%parallel_loop3A_389, %parallel_loop3A_390], %parallel_loop3A_387 {strides = array<i32>} : memref<60x512xf32, #tpu.memory_space<vmem>>, vector<16xf32>,
      %parallel_loop3A_392 = arith.constant 1 : i32
      %parallel_loop3A_393 = vector.broadcast %parallel_loop3A_392 : i32 to vector<16xi32>
      %parallel_loop3A_394 = arith.addi %parallel_loop3A_383, %parallel_loop3A_393 : vector<16xi32>
      %parallel_loop3A_395 = tpu.vector_load_idx %arg10[%parallel_loop3A_394] : memref<3795xf32, #tpu.memory_space<vmem>>[vector<16xi32>], vector<16xf32>,
      %parallel_loop3A_396 = arith.constant 34 : i32
      %parallel_loop3A_397 = arith.index_cast %parallel_loop3A_396 : i32 to index
      %parallel_loop3A_398 = arith.index_cast %parallel_loop3A_69 : i32 to index
      %parallel_loop3A_399 = tpu.vector_load %arg13[%parallel_loop3A_397, %parallel_loop3A_398] {strides = array<i32>} : memref<60x512xf32, #tpu.memory_space<vmem>>, vector<16xf32>,
      tpu.vector_store %arg13[%parallel_loop3A_397, %parallel_loop3A_398], %parallel_loop3A_395 {strides = array<i32>} : memref<60x512xf32, #tpu.memory_space<vmem>>, vector<16xf32>,
      %parallel_loop3A_400 = arith.constant 2 : i32
      %parallel_loop3A_401 = vector.broadcast %parallel_loop3A_400 : i32 to vector<16xi32>
      %parallel_loop3A_402 = arith.addi %parallel_loop3A_383, %parallel_loop3A_401 : vector<16xi32>
      %parallel_loop3A_403 = tpu.vector_load_idx %arg10[%parallel_loop3A_402] : memref<3795xf32, #tpu.memory_space<vmem>>[vector<16xi32>], vector<16xf32>,
      %parallel_loop3A_404 = arith.constant 35 : i32
      %parallel_loop3A_405 = arith.index_cast %parallel_loop3A_404 : i32 to index
      %parallel_loop3A_406 = arith.index_cast %parallel_loop3A_69 : i32 to index
      %parallel_loop3A_407 = tpu.vector_load %arg13[%parallel_loop3A_405, %parallel_loop3A_406] {strides = array<i32>} : memref<60x512xf32, #tpu.memory_space<vmem>>, vector<16xf32>,
      tpu.vector_store %arg13[%parallel_loop3A_405, %parallel_loop3A_406], %parallel_loop3A_403 {strides = array<i32>} : memref<60x512xf32, #tpu.memory_space<vmem>>, vector<16xf32>,
      %parallel_loop3A_408 = arith.constant 3 : i32
      %parallel_loop3A_409 = vector.broadcast %parallel_loop3A_408 : i32 to vector<16xi32>
      %parallel_loop3A_410 = arith.addi %parallel_loop3A_383, %parallel_loop3A_409 : vector<16xi32>
      %parallel_loop3A_411 = tpu.vector_load_idx %arg10[%parallel_loop3A_410] : memref<3795xf32, #tpu.memory_space<vmem>>[vector<16xi32>], vector<16xf32>,
      %parallel_loop3A_412 = arith.constant 36 : i32
      %parallel_loop3A_413 = arith.index_cast %parallel_loop3A_412 : i32 to index
      %parallel_loop3A_414 = arith.index_cast %parallel_loop3A_69 : i32 to index
      %parallel_loop3A_415 = tpu.vector_load %arg13[%parallel_loop3A_413, %parallel_loop3A_414] {strides = array<i32>} : memref<60x512xf32, #tpu.memory_space<vmem>>, vector<16xf32>,
      tpu.vector_store %arg13[%parallel_loop3A_413, %parallel_loop3A_414], %parallel_loop3A_411 {strides = array<i32>} : memref<60x512xf32, #tpu.memory_space<vmem>>, vector<16xf32>,
      %parallel_loop3A_416 = arith.constant 4 : i32
      %parallel_loop3A_417 = vector.broadcast %parallel_loop3A_416 : i32 to vector<16xi32>
      %parallel_loop3A_418 = arith.addi %parallel_loop3A_383, %parallel_loop3A_417 : vector<16xi32>
      %parallel_loop3A_419 = tpu.vector_load_idx %arg10[%parallel_loop3A_418] : memref<3795xf32, #tpu.memory_space<vmem>>[vector<16xi32>], vector<16xf32>,
      %parallel_loop3A_420 = arith.constant 37 : i32
      %parallel_loop3A_421 = arith.index_cast %parallel_loop3A_420 : i32 to index
      %parallel_loop3A_422 = arith.index_cast %parallel_loop3A_69 : i32 to index
      %parallel_loop3A_423 = tpu.vector_load %arg13[%parallel_loop3A_421, %parallel_loop3A_422] {strides = array<i32>} : memref<60x512xf32, #tpu.memory_space<vmem>>, vector<16xf32>,
      tpu.vector_store %arg13[%parallel_loop3A_421, %parallel_loop3A_422], %parallel_loop3A_419 {strides = array<i32>} : memref<60x512xf32, #tpu.memory_space<vmem>>, vector<16xf32>,
      %parallel_loop3A_424 = arith.constant 5 : i32
      %parallel_loop3A_425 = vector.broadcast %parallel_loop3A_424 : i32 to vector<16xi32>
      %parallel_loop3A_426 = arith.addi %parallel_loop3A_383, %parallel_loop3A_425 : vector<16xi32>
      %parallel_loop3A_427 = tpu.vector_load_idx %arg10[%parallel_loop3A_426] : memref<3795xf32, #tpu.memory_space<vmem>>[vector<16xi32>], vector<16xf32>,
      %parallel_loop3A_428 = arith.constant 38 : i32
      %parallel_loop3A_429 = arith.index_cast %parallel_loop3A_428 : i32 to index
      %parallel_loop3A_430 = arith.index_cast %parallel_loop3A_69 : i32 to index
      %parallel_loop3A_431 = tpu.vector_load %arg13[%parallel_loop3A_429, %parallel_loop3A_430] {strides = array<i32>} : memref<60x512xf32, #tpu.memory_space<vmem>>, vector<16xf32>,
      tpu.vector_store %arg13[%parallel_loop3A_429, %parallel_loop3A_430], %parallel_loop3A_427 {strides = array<i32>} : memref<60x512xf32, #tpu.memory_space<vmem>>, vector<16xf32>,
      %parallel_loop3A_432 = arith.constant 6 : i32
      %parallel_loop3A_433 = vector.broadcast %parallel_loop3A_432 : i32 to vector<16xi32>
      %parallel_loop3A_434 = arith.addi %parallel_loop3A_383, %parallel_loop3A_433 : vector<16xi32>
      %parallel_loop3A_435 = tpu.vector_load_idx %arg10[%parallel_loop3A_434] : memref<3795xf32, #tpu.memory_space<vmem>>[vector<16xi32>], vector<16xf32>,
      %parallel_loop3A_436 = arith.constant 39 : i32
      %parallel_loop3A_437 = arith.index_cast %parallel_loop3A_436 : i32 to index
      %parallel_loop3A_438 = arith.index_cast %parallel_loop3A_69 : i32 to index
      %parallel_loop3A_439 = tpu.vector_load %arg13[%parallel_loop3A_437, %parallel_loop3A_438] {strides = array<i32>} : memref<60x512xf32, #tpu.memory_space<vmem>>, vector<16xf32>,
      tpu.vector_store %arg13[%parallel_loop3A_437, %parallel_loop3A_438], %parallel_loop3A_435 {strides = array<i32>} : memref<60x512xf32, #tpu.memory_space<vmem>>, vector<16xf32>,
      %parallel_loop3A_440 = arith.constant 7 : i32
      %parallel_loop3A_441 = vector.broadcast %parallel_loop3A_440 : i32 to vector<16xi32>
      %parallel_loop3A_442 = arith.addi %parallel_loop3A_383, %parallel_loop3A_441 : vector<16xi32>
      %parallel_loop3A_443 = tpu.vector_load_idx %arg10[%parallel_loop3A_442] : memref<3795xf32, #tpu.memory_space<vmem>>[vector<16xi32>], vector<16xf32>,
      %parallel_loop3A_444 = arith.constant 40 : i32
      %parallel_loop3A_445 = arith.index_cast %parallel_loop3A_444 : i32 to index
      %parallel_loop3A_446 = arith.index_cast %parallel_loop3A_69 : i32 to index
      %parallel_loop3A_447 = tpu.vector_load %arg13[%parallel_loop3A_445, %parallel_loop3A_446] {strides = array<i32>} : memref<60x512xf32, #tpu.memory_space<vmem>>, vector<16xf32>,
      tpu.vector_store %arg13[%parallel_loop3A_445, %parallel_loop3A_446], %parallel_loop3A_443 {strides = array<i32>} : memref<60x512xf32, #tpu.memory_space<vmem>>, vector<16xf32>,
      %parallel_loop3A_448 = arith.constant 8 : i32
      %parallel_loop3A_449 = vector.broadcast %parallel_loop3A_448 : i32 to vector<16xi32>
      %parallel_loop3A_450 = arith.addi %parallel_loop3A_383, %parallel_loop3A_449 : vector<16xi32>
      %parallel_loop3A_451 = tpu.vector_load_idx %arg10[%parallel_loop3A_450] : memref<3795xf32, #tpu.memory_space<vmem>>[vector<16xi32>], vector<16xf32>,
      %parallel_loop3A_452 = arith.constant 41 : i32
      %parallel_loop3A_453 = arith.index_cast %parallel_loop3A_452 : i32 to index
      %parallel_loop3A_454 = arith.index_cast %parallel_loop3A_69 : i32 to index
      %parallel_loop3A_455 = tpu.vector_load %arg13[%parallel_loop3A_453, %parallel_loop3A_454] {strides = array<i32>} : memref<60x512xf32, #tpu.memory_space<vmem>>, vector<16xf32>,
      tpu.vector_store %arg13[%parallel_loop3A_453, %parallel_loop3A_454], %parallel_loop3A_451 {strides = array<i32>} : memref<60x512xf32, #tpu.memory_space<vmem>>, vector<16xf32>,
      %parallel_loop3A_456 = arith.constant 9 : i32
      %parallel_loop3A_457 = vector.broadcast %parallel_loop3A_456 : i32 to vector<16xi32>
      %parallel_loop3A_458 = arith.addi %parallel_loop3A_383, %parallel_loop3A_457 : vector<16xi32>
      %parallel_loop3A_459 = tpu.vector_load_idx %arg10[%parallel_loop3A_458] : memref<3795xf32, #tpu.memory_space<vmem>>[vector<16xi32>], vector<16xf32>,
      %parallel_loop3A_460 = arith.constant 42 : i32
      %parallel_loop3A_461 = arith.index_cast %parallel_loop3A_460 : i32 to index
      %parallel_loop3A_462 = arith.index_cast %parallel_loop3A_69 : i32 to index
      %parallel_loop3A_463 = tpu.vector_load %arg13[%parallel_loop3A_461, %parallel_loop3A_462] {strides = array<i32>} : memref<60x512xf32, #tpu.memory_space<vmem>>, vector<16xf32>,
      tpu.vector_store %arg13[%parallel_loop3A_461, %parallel_loop3A_462], %parallel_loop3A_459 {strides = array<i32>} : memref<60x512xf32, #tpu.memory_space<vmem>>, vector<16xf32>,
      %parallel_loop3A_464 = arith.constant 10 : i32
      %parallel_loop3A_465 = vector.broadcast %parallel_loop3A_464 : i32 to vector<16xi32>
      %parallel_loop3A_466 = arith.addi %parallel_loop3A_383, %parallel_loop3A_465 : vector<16xi32>
      %parallel_loop3A_467 = tpu.vector_load_idx %arg10[%parallel_loop3A_466] : memref<3795xf32, #tpu.memory_space<vmem>>[vector<16xi32>], vector<16xf32>,
      %parallel_loop3A_468 = arith.constant 43 : i32
      %parallel_loop3A_469 = arith.index_cast %parallel_loop3A_468 : i32 to index
      %parallel_loop3A_470 = arith.index_cast %parallel_loop3A_69 : i32 to index
      %parallel_loop3A_471 = tpu.vector_load %arg13[%parallel_loop3A_469, %parallel_loop3A_470] {strides = array<i32>} : memref<60x512xf32, #tpu.memory_space<vmem>>, vector<16xf32>,
      tpu.vector_store %arg13[%parallel_loop3A_469, %parallel_loop3A_470], %parallel_loop3A_467 {strides = array<i32>} : memref<60x512xf32, #tpu.memory_space<vmem>>, vector<16xf32>,
      %parallel_loop3A_472 = arith.constant 11 : i32
      %parallel_loop3A_473 = vector.broadcast %parallel_loop3A_472 : i32 to vector<16xi32>
      %parallel_loop3A_474 = arith.addi %parallel_loop3A_383, %parallel_loop3A_473 : vector<16xi32>
      %parallel_loop3A_475 = tpu.vector_load_idx %arg10[%parallel_loop3A_474] : memref<3795xf32, #tpu.memory_space<vmem>>[vector<16xi32>], vector<16xf32>,
      %parallel_loop3A_476 = arith.constant 44 : i32
      %parallel_loop3A_477 = arith.index_cast %parallel_loop3A_476 : i32 to index
      %parallel_loop3A_478 = arith.index_cast %parallel_loop3A_69 : i32 to index
      %parallel_loop3A_479 = tpu.vector_load %arg13[%parallel_loop3A_477, %parallel_loop3A_478] {strides = array<i32>} : memref<60x512xf32, #tpu.memory_space<vmem>>, vector<16xf32>,
      tpu.vector_store %arg13[%parallel_loop3A_477, %parallel_loop3A_478], %parallel_loop3A_475 {strides = array<i32>} : memref<60x512xf32, #tpu.memory_space<vmem>>, vector<16xf32>,
      %parallel_loop3A_480 = arith.constant 12 : i32
      %parallel_loop3A_481 = vector.broadcast %parallel_loop3A_480 : i32 to vector<16xi32>
      %parallel_loop3A_482 = arith.addi %parallel_loop3A_383, %parallel_loop3A_481 : vector<16xi32>
      %parallel_loop3A_483 = tpu.vector_load_idx %arg10[%parallel_loop3A_482] : memref<3795xf32, #tpu.memory_space<vmem>>[vector<16xi32>], vector<16xf32>,
      %parallel_loop3A_484 = arith.constant 45 : i32
      %parallel_loop3A_485 = arith.index_cast %parallel_loop3A_484 : i32 to index
      %parallel_loop3A_486 = arith.index_cast %parallel_loop3A_69 : i32 to index
      %parallel_loop3A_487 = tpu.vector_load %arg13[%parallel_loop3A_485, %parallel_loop3A_486] {strides = array<i32>} : memref<60x512xf32, #tpu.memory_space<vmem>>, vector<16xf32>,
      tpu.vector_store %arg13[%parallel_loop3A_485, %parallel_loop3A_486], %parallel_loop3A_483 {strides = array<i32>} : memref<60x512xf32, #tpu.memory_space<vmem>>, vector<16xf32>,
      %parallel_loop3A_488 = arith.constant 13 : i32
      %parallel_loop3A_489 = vector.broadcast %parallel_loop3A_488 : i32 to vector<16xi32>
      %parallel_loop3A_490 = arith.addi %parallel_loop3A_383, %parallel_loop3A_489 : vector<16xi32>
      %parallel_loop3A_491 = tpu.vector_load_idx %arg10[%parallel_loop3A_490] : memref<3795xf32, #tpu.memory_space<vmem>>[vector<16xi32>], vector<16xf32>,
      %parallel_loop3A_492 = arith.constant 46 : i32
      %parallel_loop3A_493 = arith.index_cast %parallel_loop3A_492 : i32 to index
      %parallel_loop3A_494 = arith.index_cast %parallel_loop3A_69 : i32 to index
      %parallel_loop3A_495 = tpu.vector_load %arg13[%parallel_loop3A_493, %parallel_loop3A_494] {strides = array<i32>} : memref<60x512xf32, #tpu.memory_space<vmem>>, vector<16xf32>,
      tpu.vector_store %arg13[%parallel_loop3A_493, %parallel_loop3A_494], %parallel_loop3A_491 {strides = array<i32>} : memref<60x512xf32, #tpu.memory_space<vmem>>, vector<16xf32>,
      %parallel_loop3A_496 = arith.constant 14 : i32
      %parallel_loop3A_497 = vector.broadcast %parallel_loop3A_496 : i32 to vector<16xi32>
      %parallel_loop3A_498 = arith.addi %parallel_loop3A_383, %parallel_loop3A_497 : vector<16xi32>
      %parallel_loop3A_499 = tpu.vector_load_idx %arg10[%parallel_loop3A_498] : memref<3795xf32, #tpu.memory_space<vmem>>[vector<16xi32>], vector<16xf32>,
      %parallel_loop3A_500 = arith.constant 47 : i32
      %parallel_loop3A_501 = arith.index_cast %parallel_loop3A_500 : i32 to index
      %parallel_loop3A_502 = arith.index_cast %parallel_loop3A_69 : i32 to index
      %parallel_loop3A_503 = tpu.vector_load %arg13[%parallel_loop3A_501, %parallel_loop3A_502] {strides = array<i32>} : memref<60x512xf32, #tpu.memory_space<vmem>>, vector<16xf32>,
      tpu.vector_store %arg13[%parallel_loop3A_501, %parallel_loop3A_502], %parallel_loop3A_499 {strides = array<i32>} : memref<60x512xf32, #tpu.memory_space<vmem>>, vector<16xf32>,
      %parallel_loop3A_504 = arith.constant 15 : i32
      %parallel_loop3A_505 = vector.broadcast %parallel_loop3A_504 : i32 to vector<16xi32>
      %parallel_loop3A_506 = arith.addi %parallel_loop3A_383, %parallel_loop3A_505 : vector<16xi32>
      %parallel_loop3A_507 = tpu.vector_load_idx %arg10[%parallel_loop3A_506] : memref<3795xf32, #tpu.memory_space<vmem>>[vector<16xi32>], vector<16xf32>,
      %parallel_loop3A_508 = arith.constant 48 : i32
      %parallel_loop3A_509 = arith.index_cast %parallel_loop3A_508 : i32 to index
      %parallel_loop3A_510 = arith.index_cast %parallel_loop3A_69 : i32 to index
      %parallel_loop3A_511 = tpu.vector_load %arg13[%parallel_loop3A_509, %parallel_loop3A_510] {strides = array<i32>} : memref<60x512xf32, #tpu.memory_space<vmem>>, vector<16xf32>,
      tpu.vector_store %arg13[%parallel_loop3A_509, %parallel_loop3A_510], %parallel_loop3A_507 {strides = array<i32>} : memref<60x512xf32, #tpu.memory_space<vmem>>, vector<16xf32>,
      %parallel_loop3A_512 = arith.constant 16 : i32
      %parallel_loop3A_513 = vector.broadcast %parallel_loop3A_512 : i32 to vector<16xi32>
      %parallel_loop3A_514 = arith.addi %parallel_loop3A_383, %parallel_loop3A_513 : vector<16xi32>
      %parallel_loop3A_515 = tpu.vector_load_idx %arg10[%parallel_loop3A_514] : memref<3795xf32, #tpu.memory_space<vmem>>[vector<16xi32>], vector<16xf32>,
      %parallel_loop3A_516 = arith.constant 49 : i32
      %parallel_loop3A_517 = arith.index_cast %parallel_loop3A_516 : i32 to index
      %parallel_loop3A_518 = arith.index_cast %parallel_loop3A_69 : i32 to index
      %parallel_loop3A_519 = tpu.vector_load %arg13[%parallel_loop3A_517, %parallel_loop3A_518] {strides = array<i32>} : memref<60x512xf32, #tpu.memory_space<vmem>>, vector<16xf32>,
      tpu.vector_store %arg13[%parallel_loop3A_517, %parallel_loop3A_518], %parallel_loop3A_515 {strides = array<i32>} : memref<60x512xf32, #tpu.memory_space<vmem>>, vector<16xf32>,
      %parallel_loop3A_520 = arith.constant 17 : i32
      %parallel_loop3A_521 = vector.broadcast %parallel_loop3A_520 : i32 to vector<16xi32>
      %parallel_loop3A_522 = arith.addi %parallel_loop3A_383, %parallel_loop3A_521 : vector<16xi32>
      %parallel_loop3A_523 = tpu.vector_load_idx %arg10[%parallel_loop3A_522] : memref<3795xf32, #tpu.memory_space<vmem>>[vector<16xi32>], vector<16xf32>,
      %parallel_loop3A_524 = arith.constant 50 : i32
      %parallel_loop3A_525 = arith.index_cast %parallel_loop3A_524 : i32 to index
      %parallel_loop3A_526 = arith.index_cast %parallel_loop3A_69 : i32 to index
      %parallel_loop3A_527 = tpu.vector_load %arg13[%parallel_loop3A_525, %parallel_loop3A_526] {strides = array<i32>} : memref<60x512xf32, #tpu.memory_space<vmem>>, vector<16xf32>,
      tpu.vector_store %arg13[%parallel_loop3A_525, %parallel_loop3A_526], %parallel_loop3A_523 {strides = array<i32>} : memref<60x512xf32, #tpu.memory_space<vmem>>, vector<16xf32>,
      %parallel_loop3A_528 = arith.constant 18 : i32
      %parallel_loop3A_529 = vector.broadcast %parallel_loop3A_528 : i32 to vector<16xi32>
      %parallel_loop3A_530 = arith.addi %parallel_loop3A_383, %parallel_loop3A_529 : vector<16xi32>
      %parallel_loop3A_531 = tpu.vector_load_idx %arg10[%parallel_loop3A_530] : memref<3795xf32, #tpu.memory_space<vmem>>[vector<16xi32>], vector<16xf32>,
      %parallel_loop3A_532 = arith.constant 51 : i32
      %parallel_loop3A_533 = arith.index_cast %parallel_loop3A_532 : i32 to index
      %parallel_loop3A_534 = arith.index_cast %parallel_loop3A_69 : i32 to index
      %parallel_loop3A_535 = tpu.vector_load %arg13[%parallel_loop3A_533, %parallel_loop3A_534] {strides = array<i32>} : memref<60x512xf32, #tpu.memory_space<vmem>>, vector<16xf32>,
      tpu.vector_store %arg13[%parallel_loop3A_533, %parallel_loop3A_534], %parallel_loop3A_531 {strides = array<i32>} : memref<60x512xf32, #tpu.memory_space<vmem>>, vector<16xf32>,
      %parallel_loop3A_536 = arith.constant 19 : i32
      %parallel_loop3A_537 = vector.broadcast %parallel_loop3A_536 : i32 to vector<16xi32>
      %parallel_loop3A_538 = arith.addi %parallel_loop3A_383, %parallel_loop3A_537 : vector<16xi32>
      %parallel_loop3A_539 = tpu.vector_load_idx %arg10[%parallel_loop3A_538] : memref<3795xf32, #tpu.memory_space<vmem>>[vector<16xi32>], vector<16xf32>,
      %parallel_loop3A_540 = arith.constant 52 : i32
      %parallel_loop3A_541 = arith.index_cast %parallel_loop3A_540 : i32 to index
      %parallel_loop3A_542 = arith.index_cast %parallel_loop3A_69 : i32 to index
      %parallel_loop3A_543 = tpu.vector_load %arg13[%parallel_loop3A_541, %parallel_loop3A_542] {strides = array<i32>} : memref<60x512xf32, #tpu.memory_space<vmem>>, vector<16xf32>,
      tpu.vector_store %arg13[%parallel_loop3A_541, %parallel_loop3A_542], %parallel_loop3A_539 {strides = array<i32>} : memref<60x512xf32, #tpu.memory_space<vmem>>, vector<16xf32>,
      %parallel_loop3A_544 = arith.constant 20 : i32
      %parallel_loop3A_545 = vector.broadcast %parallel_loop3A_544 : i32 to vector<16xi32>
      %parallel_loop3A_546 = arith.addi %parallel_loop3A_383, %parallel_loop3A_545 : vector<16xi32>
      %parallel_loop3A_547 = tpu.vector_load_idx %arg10[%parallel_loop3A_546] : memref<3795xf32, #tpu.memory_space<vmem>>[vector<16xi32>], vector<16xf32>,
      %parallel_loop3A_548 = arith.constant 53 : i32
      %parallel_loop3A_549 = arith.index_cast %parallel_loop3A_548 : i32 to index
      %parallel_loop3A_550 = arith.index_cast %parallel_loop3A_69 : i32 to index
      %parallel_loop3A_551 = tpu.vector_load %arg13[%parallel_loop3A_549, %parallel_loop3A_550] {strides = array<i32>} : memref<60x512xf32, #tpu.memory_space<vmem>>, vector<16xf32>,
      tpu.vector_store %arg13[%parallel_loop3A_549, %parallel_loop3A_550], %parallel_loop3A_547 {strides = array<i32>} : memref<60x512xf32, #tpu.memory_space<vmem>>, vector<16xf32>,
      %parallel_loop3A_552 = arith.constant 21 : i32
      %parallel_loop3A_553 = vector.broadcast %parallel_loop3A_552 : i32 to vector<16xi32>
      %parallel_loop3A_554 = arith.addi %parallel_loop3A_383, %parallel_loop3A_553 : vector<16xi32>
      %parallel_loop3A_555 = tpu.vector_load_idx %arg10[%parallel_loop3A_554] : memref<3795xf32, #tpu.memory_space<vmem>>[vector<16xi32>], vector<16xf32>,
      %parallel_loop3A_556 = arith.constant 54 : i32
      %parallel_loop3A_557 = arith.index_cast %parallel_loop3A_556 : i32 to index
      %parallel_loop3A_558 = arith.index_cast %parallel_loop3A_69 : i32 to index
      %parallel_loop3A_559 = tpu.vector_load %arg13[%parallel_loop3A_557, %parallel_loop3A_558] {strides = array<i32>} : memref<60x512xf32, #tpu.memory_space<vmem>>, vector<16xf32>,
      tpu.vector_store %arg13[%parallel_loop3A_557, %parallel_loop3A_558], %parallel_loop3A_555 {strides = array<i32>} : memref<60x512xf32, #tpu.memory_space<vmem>>, vector<16xf32>,
      %parallel_loop3A_560 = arith.constant 22 : i32
      %parallel_loop3A_561 = vector.broadcast %parallel_loop3A_560 : i32 to vector<16xi32>
      %parallel_loop3A_562 = arith.addi %parallel_loop3A_383, %parallel_loop3A_561 : vector<16xi32>
      %parallel_loop3A_563 = tpu.vector_load_idx %arg10[%parallel_loop3A_562] : memref<3795xf32, #tpu.memory_space<vmem>>[vector<16xi32>], vector<16xf32>,
      %parallel_loop3A_564 = arith.constant 55 : i32
      %parallel_loop3A_565 = arith.index_cast %parallel_loop3A_564 : i32 to index
      %parallel_loop3A_566 = arith.index_cast %parallel_loop3A_69 : i32 to index
      %parallel_loop3A_567 = tpu.vector_load %arg13[%parallel_loop3A_565, %parallel_loop3A_566] {strides = array<i32>} : memref<60x512xf32, #tpu.memory_space<vmem>>, vector<16xf32>,
      tpu.vector_store %arg13[%parallel_loop3A_565, %parallel_loop3A_566], %parallel_loop3A_563 {strides = array<i32>} : memref<60x512xf32, #tpu.memory_space<vmem>>, vector<16xf32>,
      %parallel_loop3A_568 = arith.constant 23 : i32
      %parallel_loop3A_569 = vector.broadcast %parallel_loop3A_568 : i32 to vector<16xi32>
      %parallel_loop3A_570 = arith.addi %parallel_loop3A_383, %parallel_loop3A_569 : vector<16xi32>
      %parallel_loop3A_571 = tpu.vector_load_idx %arg10[%parallel_loop3A_570] : memref<3795xf32, #tpu.memory_space<vmem>>[vector<16xi32>], vector<16xf32>,
      %parallel_loop3A_572 = arith.constant 56 : i32
      %parallel_loop3A_573 = arith.index_cast %parallel_loop3A_572 : i32 to index
      %parallel_loop3A_574 = arith.index_cast %parallel_loop3A_69 : i32 to index
      %parallel_loop3A_575 = tpu.vector_load %arg13[%parallel_loop3A_573, %parallel_loop3A_574] {strides = array<i32>} : memref<60x512xf32, #tpu.memory_space<vmem>>, vector<16xf32>,
      tpu.vector_store %arg13[%parallel_loop3A_573, %parallel_loop3A_574], %parallel_loop3A_571 {strides = array<i32>} : memref<60x512xf32, #tpu.memory_space<vmem>>, vector<16xf32>,
      %parallel_loop3A_576 = arith.constant 24 : i32
      %parallel_loop3A_577 = vector.broadcast %parallel_loop3A_576 : i32 to vector<16xi32>
      %parallel_loop3A_578 = arith.addi %parallel_loop3A_383, %parallel_loop3A_577 : vector<16xi32>
      %parallel_loop3A_579 = tpu.vector_load_idx %arg10[%parallel_loop3A_578] : memref<3795xf32, #tpu.memory_space<vmem>>[vector<16xi32>], vector<16xf32>,
      %parallel_loop3A_580 = arith.constant 57 : i32
      %parallel_loop3A_581 = arith.index_cast %parallel_loop3A_580 : i32 to index
      %parallel_loop3A_582 = arith.index_cast %parallel_loop3A_69 : i32 to index
      %parallel_loop3A_583 = tpu.vector_load %arg13[%parallel_loop3A_581, %parallel_loop3A_582] {strides = array<i32>} : memref<60x512xf32, #tpu.memory_space<vmem>>, vector<16xf32>,
      tpu.vector_store %arg13[%parallel_loop3A_581, %parallel_loop3A_582], %parallel_loop3A_579 {strides = array<i32>} : memref<60x512xf32, #tpu.memory_space<vmem>>, vector<16xf32>,
      %parallel_loop3A_584 = arith.constant 25 : i32
      %parallel_loop3A_585 = vector.broadcast %parallel_loop3A_584 : i32 to vector<16xi32>
      %parallel_loop3A_586 = arith.addi %parallel_loop3A_383, %parallel_loop3A_585 : vector<16xi32>
      %parallel_loop3A_587 = tpu.vector_load_idx %arg10[%parallel_loop3A_586] : memref<3795xf32, #tpu.memory_space<vmem>>[vector<16xi32>], vector<16xf32>,
      %parallel_loop3A_588 = arith.constant 58 : i32
      %parallel_loop3A_589 = arith.index_cast %parallel_loop3A_588 : i32 to index
      %parallel_loop3A_590 = arith.index_cast %parallel_loop3A_69 : i32 to index
      %parallel_loop3A_591 = tpu.vector_load %arg13[%parallel_loop3A_589, %parallel_loop3A_590] {strides = array<i32>} : memref<60x512xf32, #tpu.memory_space<vmem>>, vector<16xf32>,
      tpu.vector_store %arg13[%parallel_loop3A_589, %parallel_loop3A_590], %parallel_loop3A_587 {strides = array<i32>} : memref<60x512xf32, #tpu.memory_space<vmem>>, vector<16xf32>,
      %parallel_loop3A_592 = arith.index_cast %parallel_loop3A_69 : i32 to index
      %parallel_loop3A_593 = tpu.vector_load %arg12[%parallel_loop3A_592] {strides = array<i32>} : memref<512xf32, #tpu.memory_space<vmem>>, vector<16xf32>,
      %parallel_loop3A_594 = arith.constant 59 : i32
      %parallel_loop3A_595 = arith.index_cast %parallel_loop3A_594 : i32 to index
      %parallel_loop3A_596 = arith.index_cast %parallel_loop3A_69 : i32 to index
      %parallel_loop3A_597 = tpu.vector_load %arg13[%parallel_loop3A_595, %parallel_loop3A_596] {strides = array<i32>} : memref<60x512xf32, #tpu.memory_space<vmem>>, vector<16xf32>,
      tpu.vector_store %arg13[%parallel_loop3A_595, %parallel_loop3A_596], %parallel_loop3A_593 {strides = array<i32>} : memref<60x512xf32, #tpu.memory_space<vmem>>, vector<16xf32>,
    } {sc.loop_unroll_factor = 4 : i64, sc.parallel_access}
    "tpu.region"() ({
      %run_scoped3A = tpu.sem_alloc : memref<!tpu.dma_semaphore, #tpu.memory_space<semaphore_mem>>
      %dma_start3A_67 = arith.constant 0 : i32
      %dma_start3A_68 = tpu.memref_slice %arg9[%dma_start3A_67, %mul3A_2] : memref<60x16384xf32, #tpu.memory_space<hbm>> -> memref<60x512xf32, #tpu.memory_space<hbm>>
      %dma_start3A_69 = arith.constant 0 : i32
      %dma_start3A_70 = tpu.memref_slice %arg9[%dma_start3A_69, %mul3A_2] : memref<60x16384xf32, #tpu.memory_space<hbm>> -> memref<60x512xf32, #tpu.memory_space<hbm>>
      tpu.enqueue_dma source(%arg13 : memref<60x512xf32, #tpu.memory_space<vmem>>) target(%dma_start3A_70 : memref<60x512xf32, #tpu.memory_space<hbm>>) target_semaphore(%run_scoped3A : memref<!tpu.dma_semaphore, #tpu.memory_space<semaphore_mem>>)
      %dma_wait3A_71 = arith.constant 0 : i32
      %dma_wait3A_72 = tpu.memref_slice %arg9[%dma_wait3A_71, %mul3A_2] : memref<60x16384xf32, #tpu.memory_space<hbm>> -> memref<60x512xf32, #tpu.memory_space<hbm>>
      %dma_wait3A_73 = arith.constant 0 : i32
      %dma_wait3A_74 = tpu.memref_slice %arg9[%dma_wait3A_73, %mul3A_2] : memref<60x16384xf32, #tpu.memory_space<hbm>> -> memref<60x512xf32, #tpu.memory_space<hbm>>
      tpu.wait_dma2 semaphore(%run_scoped3A : memref<!tpu.dma_semaphore, #tpu.memory_space<semaphore_mem>>) src(%arg13 : memref<60x512xf32, #tpu.memory_space<vmem>>) dst(%dma_wait3A_74 : memref<60x512xf32, #tpu.memory_space<hbm>>)
      tpu.yield
    }) : () -> ()
    return
  }
}

module attributes {stable_mosaic.version = 14 : i64} {
  func.func @_tc_mlp_body(%arg0: i32, %arg1: memref<60x8192xf32, #tpu.memory_space<vmem>>, %arg2: memref<60x100xf32, #tpu.memory_space<vmem>>, %arg3: memref<100x1xf32, #tpu.memory_space<vmem>>, %arg4: memref<100x10xf32, #tpu.memory_space<vmem>>, %arg5: memref<10x1xf32, #tpu.memory_space<vmem>>, %arg6: memref<10x1xf32, #tpu.memory_space<vmem>>, %arg7: memref<1x1xf32, #tpu.memory_space<vmem>>, %arg8: memref<1x8192xf32, #tpu.memory_space<vmem>>) attributes {dimension_semantics = [#tpu.dimension_semantics<arbitrary>], iteration_bounds = array<i64: 2>, scalar_prefetch = 0 : i64, scratch_operands = 0 : i64, tpu.core_type = #tpu.core_type<tc>, window_params = [{transform_indices = @transform_0, window_bounds = array<i64: 60, 8192>}, {pipeline_mode = #tpu.pipeline_mode<synchronous>, transform_indices = @transform_1, window_bounds = array<i64: 60, 100>}, {pipeline_mode = #tpu.pipeline_mode<synchronous>, transform_indices = @transform_2, window_bounds = array<i64: 100, 1>}, {pipeline_mode = #tpu.pipeline_mode<synchronous>, transform_indices = @transform_3, window_bounds = array<i64: 100, 10>}, {pipeline_mode = #tpu.pipeline_mode<synchronous>, transform_indices = @transform_4, window_bounds = array<i64: 10, 1>}, {pipeline_mode = #tpu.pipeline_mode<synchronous>, transform_indices = @transform_5, window_bounds = array<i64: 10, 1>}, {pipeline_mode = #tpu.pipeline_mode<synchronous>, transform_indices = @transform_6, window_bounds = array<i64: 1, 1>}, {transform_indices = @transform_7, window_bounds = array<i64: 1, 8192>}]} {
    %get3A = arith.constant 0 : index
    %get3A_0 = arith.constant 0 : index
    %get3A_1 = vector.load %arg2[%get3A, %get3A_0] : memref<60x100xf32, #tpu.memory_space<vmem>>, vector<60x100xf32>
    %slice3A = vector.extract_strided_slice %get3A_1 {offsets = [1, 0], sizes = [59, 100], strides = [1, 1]} : vector<60x100xf32> to vector<59x100xf32>
    %slice3A_2 = vector.extract_strided_slice %get3A_1 {offsets = [0, 0], sizes = [1, 100], strides = [1, 1]} : vector<60x100xf32> to vector<1x100xf32>
    %concatenate3A = tpu.concatenate %slice3A, %slice3A_2 in 0 : vector<59x100xf32>, vector<1x100xf32> -> vector<60x100xf32>
    %get3A_3 = arith.constant 0 : index
    %get3A_4 = arith.constant 0 : index
    %get3A_5 = vector.load %arg1[%get3A_3, %get3A_4] : memref<60x8192xf32, #tpu.memory_space<vmem>>, vector<60x8192xf32>
    %dot_general3A = arith.constant dense<0.000000e+00> : vector<100x8192xf32>
    %dot_general3A_6 = tpu.matmul %concatenate3A, %get3A_5, %dot_general3A {dimension_numbers = #tpu.dot_dimension_numbers<[0], [0], [1], [1], [0, 1, 1, 1], [], []>, precision = #tpu.contract_precision<fp32>, transpose_lhs_hint = false} : vector<60x100xf32>, vector<60x8192xf32>, vector<100x8192xf32> -> vector<100x8192xf32>
    %get3A_7 = arith.constant 0 : index
    %get3A_8 = arith.constant 0 : index
    %get3A_9 = vector.load %arg3[%get3A_7, %get3A_8] : memref<100x1xf32, #tpu.memory_space<vmem>>, vector<100x1xf32>
    %add3A = vector.broadcast %get3A_9 : vector<100x1xf32> to vector<100x8192xf32>
    %add3A_10 = arith.addf %dot_general3A_6, %add3A : vector<100x8192xf32>
    %max3A = arith.constant 0.000000e+00 : f32
    %max3A_11 = vector.broadcast %max3A : f32 to vector<100x8192xf32>
    %max3A_12 = arith.maximumf %add3A_10, %max3A_11 : vector<100x8192xf32>
    %get3A_13 = arith.constant 0 : index
    %get3A_14 = arith.constant 0 : index
    %get3A_15 = vector.load %arg4[%get3A_13, %get3A_14] : memref<100x10xf32, #tpu.memory_space<vmem>>, vector<100x10xf32>
    %dot_general3A_16 = arith.constant dense<0.000000e+00> : vector<10x8192xf32>
    %dot_general3A_17 = tpu.matmul %get3A_15, %max3A_12, %dot_general3A_16 {dimension_numbers = #tpu.dot_dimension_numbers<[0], [0], [1], [1], [0, 1, 1, 1], [], []>, precision = #tpu.contract_precision<fp32>, transpose_lhs_hint = false} : vector<100x10xf32>, vector<100x8192xf32>, vector<10x8192xf32> -> vector<10x8192xf32>
    %get3A_18 = arith.constant 0 : index
    %get3A_19 = arith.constant 0 : index
    %get3A_20 = vector.load %arg5[%get3A_18, %get3A_19] : memref<10x1xf32, #tpu.memory_space<vmem>>, vector<10x1xf32>
    %add3A_21 = vector.broadcast %get3A_20 : vector<10x1xf32> to vector<10x8192xf32>
    %add3A_22 = arith.addf %dot_general3A_17, %add3A_21 : vector<10x8192xf32>
    %max3A_23 = arith.constant 0.000000e+00 : f32
    %max3A_24 = vector.broadcast %max3A_23 : f32 to vector<10x8192xf32>
    %max3A_25 = arith.maximumf %add3A_22, %max3A_24 : vector<10x8192xf32>
    %get3A_26 = arith.constant 0 : index
    %get3A_27 = arith.constant 0 : index
    %get3A_28 = vector.load %arg6[%get3A_26, %get3A_27] : memref<10x1xf32, #tpu.memory_space<vmem>>, vector<10x1xf32>
    %mul3A = vector.broadcast %get3A_28 : vector<10x1xf32> to vector<10x8192xf32>
    %mul3A_29 = arith.mulf %max3A_25, %mul3A : vector<10x8192xf32>
    %reduce_sum3A = arith.constant dense<0.000000e+00> : vector<8192xf32>
    %reduce_sum3A_30 = vector.multi_reduction <add>, %mul3A_29, %reduce_sum3A [0] : vector<10x8192xf32> to vector<8192xf32>
    %broadcast_in_dim3A = vector.shape_cast %reduce_sum3A_30 : vector<8192xf32> to vector<1x8192xf32>
    %get3A_31 = arith.constant 0 : index
    %get3A_32 = arith.constant 0 : index
    %get3A_33 = vector.load %arg7[%get3A_31, %get3A_32] : memref<1x1xf32, #tpu.memory_space<vmem>>, vector<1x1xf32>
    %add3A_34 = vector.broadcast %get3A_33 : vector<1x1xf32> to vector<1x8192xf32>
    %add3A_35 = arith.addf %broadcast_in_dim3A, %add3A_34 : vector<1x8192xf32>
    %swap3A = arith.constant 0 : index
    %swap3A_36 = arith.constant 0 : index
    %swap3A_37 = vector.load %arg8[%swap3A, %swap3A_36] : memref<1x8192xf32, #tpu.memory_space<vmem>>, vector<1x8192xf32>
    tpu.vector_store %arg8[%swap3A, %swap3A_36], %add3A_35 {strides = array<i32>} : memref<1x8192xf32, #tpu.memory_space<vmem>>, vector<1x8192xf32>,
    return
  }
  func.func @transform_0(%arg0: i32) -> (i32, i32) {
    %c0_i32 = arith.constant 0 : i32
    %c0_i32_0 = arith.constant 0 : i32
    return %c0_i32, %arg0 : i32, i32
  }
  func.func @transform_1(%arg0: i32) -> (i32, i32) {
    %c0_i32 = arith.constant 0 : i32
    %c0_i32_0 = arith.constant 0 : i32
    %c0_i32_1 = arith.constant 0 : i32
    return %c0_i32, %c0_i32_0 : i32, i32
  }
  func.func @transform_2(%arg0: i32) -> (i32, i32) {
    %c0_i32 = arith.constant 0 : i32
    %c0_i32_0 = arith.constant 0 : i32
    %c0_i32_1 = arith.constant 0 : i32
    return %c0_i32, %c0_i32_0 : i32, i32
  }
  func.func @transform_3(%arg0: i32) -> (i32, i32) {
    %c0_i32 = arith.constant 0 : i32
    %c0_i32_0 = arith.constant 0 : i32
    %c0_i32_1 = arith.constant 0 : i32
    return %c0_i32, %c0_i32_0 : i32, i32
  }
  func.func @transform_4(%arg0: i32) -> (i32, i32) {
    %c0_i32 = arith.constant 0 : i32
    %c0_i32_0 = arith.constant 0 : i32
    %c0_i32_1 = arith.constant 0 : i32
    return %c0_i32, %c0_i32_0 : i32, i32
  }
  func.func @transform_5(%arg0: i32) -> (i32, i32) {
    %c0_i32 = arith.constant 0 : i32
    %c0_i32_0 = arith.constant 0 : i32
    %c0_i32_1 = arith.constant 0 : i32
    return %c0_i32, %c0_i32_0 : i32, i32
  }
  func.func @transform_6(%arg0: i32) -> (i32, i32) {
    %c0_i32 = arith.constant 0 : i32
    %c0_i32_0 = arith.constant 0 : i32
    %c0_i32_1 = arith.constant 0 : i32
    return %c0_i32, %c0_i32_0 : i32, i32
  }
  func.func @transform_7(%arg0: i32) -> (i32, i32) {
    %c0_i32 = arith.constant 0 : i32
    %c0_i32_0 = arith.constant 0 : i32
    return %c0_i32, %arg0 : i32, i32
  }
}

</mosaic_0001>

<sc_bundles>
// kernel: kernel.4.cloned.1.call-start
scs
__scs_entry_jumppad:
0x0: {  	(pc) =	sbr.rel $0x88, $3  }
0x1: {  	(tag) =	ssettag $0x0;
	lr =	simm.s32 $0x1  }
0x2: {  	[smem:$0x3F90] =	sst lr;
	_ =	strace $0xD0000000  }
0x3: {  	_ = 	snop  }
0x4: {  	_ = 	snop  }
0x5: {  	_ = 	snop  }
0x6: {  	_ = 	snop  }
0x7: {  	_ = 	snop  }
__scs_overlays_trampoline_lowered:
0x8: {  	[smem:$0x3F9F] =	sst s0  }
0x9: {  	[smem:$0x3FA0] =	sst s1  }
0xa: {  	[smem:$0x3FA1] =	sst s2  }
0xb: {  	[smem:$0x3FA2] =	sst s3  }
0xc: {  	[smem:$0x3FA3] =	sst s4  }
0xd: {  	[smem:$0x3FA4] =	sst s5  }
0xe: {  	[smem:$0x3FA5] =	sst s6  }
0xf: {  	[smem:$0x3FA6] =	sst s7  }
0x10: {  	[smem:$0x3FA7] =	sst s8  }
0x11: {  	[smem:$0x3FA8] =	sst s9;
	s0 =	simm.s32 @!p0 $0x0  }
0x12: {  	s1 =	sld [smem:$0x3F8E];
	s0 =	simm.s32 @p0 $0x1  }
0x13: {  	[smem:$0x3FA9] =	sst s0;
	s0 =	simm.s32 @!p1 $0x0  }
0x14: {  	s2 =	sld [smem:$0x3F8D];
	s0 =	simm.s32 @p1 $0x1  }
0x15: {  	[smem:$0x3FAA] =	sst s0;
	s0 =	simm.s32 @!p2 $0x0  }
0x16: {  	s3 =	sld [smem:$0x3FDB];
	s0 =	simm.s32 @p2 $0x1  }
0x17: {  	s4 =	simm.s32 $0x1BF5;
	[smem:$0x3FAC] =	sst s0  }
0x18: {  	s0 =	sld [smem:$0x3F8F];
	_ =	swait.ge [sflag:s4], $0x0  }
0x19: {  	s7 =	sld [smem:$0x3F90]  }
0x1a: {  	s8 =	sadd.s32 $0xFFFFE003, lr  }
0x1b: {  	s9 =	sadd.s32 $0xFFFFFEF7, lr;
	s5 =	simm.s32 $0xFFFFFFFF;
	p2 =	slt.u32 s8, $0xFFFFF086  }
0x1c: {  	p1 =	slt.u32 s9, $0xF7A;
	s5 =	simm.s32 @!p2 $0x0  }
0x1d: {  	s5 =	simm.s32 @p1 $0x1;
	p0 =	seq.s32 s7, s2  }
0x1e: {  	s7 =	smul.u32 @!p0 $0xF7A, s2;
	p2 =	seq.s32 @!p0 s5, $0x0  }
0x1f: {  	s9 =	smul.u32 $0xF7A, s1;
	s8 =	simm.s32 @!p0 $0x1BF5;
	p2 =	por !p2, p0  }
0x20: {  	[sflag:s8] =	ssyncset.s32 @!p0 $0xFFFFF086;
	s6 =	sadd.s32 @!p0 s3, s7;
	s7 =	simm.s32 @!p0 $0x108  }
0x21: {  	s3 =	sadd.s32 s3, s9;
	s6 =	sadd.s32 @!p0 $0x88, s6;
	s7 =	simm.s32 @p2 $0x1082  }
0x22: {  	[simem:s7], [sflag:s8] =	dma.local @!p0 [hbm:s6], $0xF7A  }
0x23: {  	s9 =	sor.u32 $0xD0000000, s2;
	s6 =	simm.s32 $0x108;
	_ =	swait.ge @!p0 [sflag:s8], $0x0  }
0x24: {  	s3 =	sadd.s32 $0x88, s3;
	s6 =	simm.s32 @!p1 $0x1082;
	[sflag:s4] =	ssyncset.s32 $0xFFFFF086  }
0x25: {  	[simem:s6], [sflag:s4] =	dma.local [hbm:s3], $0xF7A  }
0x26: {  	[smem:$0x3F90] =	sst s1;
	(tag) =	ssettag s2;
	_ =	strace s9  }
0x27: {  	s1 =	sld [smem:$0x3FA0]  }
0x28: {  	s2 =	sld [smem:$0x3FA1]  }
0x29: {  	s4 =	sld [smem:$0x3FA3]  }
0x2a: {  	p0 =	seq.s32 s5, $0x0;
	s5 =	sld [smem:$0x3FA4]  }
0x2b: {  	s6 =	sld [smem:$0x3FA5]  }
0x2c: {  	s7 =	sld [smem:$0x3FA6]  }
0x2d: {  	s3 =	simm.s32 $0x108;
	s8 =	sld [smem:$0x3FA7]  }
0x2e: {  	s3 =	simm.s32 @!p0 $0x1082;
	s9 =	sld [smem:$0x3FA8]  }
0x2f: {  	lr =	sadd.s32 s0, s3;
	s0 =	sld [smem:$0x3F9F]  }
0x30: {  	s3 =	sld [smem:$0x3FA2]  }
0x31: {  	[smem:$0x3FAB] =	sst s10  }
0x32: {  	s10 =	sld [smem:$0x3FA9];
	_ =	sdelay $0x3  }
0x33: {  	p0 =	seq.s32 s10, $0x1;
	s10 =	sld [smem:$0x3FAB];
	_ =	sdelay $0x3  }
0x34: {  	[smem:$0x3FAB] =	sst s10  }
0x35: {  	s10 =	sld [smem:$0x3FAA];
	_ =	sdelay $0x3  }
0x36: {  	p1 =	seq.s32 s10, $0x1;
	s10 =	sld [smem:$0x3FAB];
	_ =	sdelay $0x3  }
0x37: {  	[smem:$0x3FAB] =	sst s10  }
0x38: {  	s10 =	sld [smem:$0x3FAC]  }
0x39: {  	_ = 	snop;
	(pc) =	sbr.ind lr, $3  }
0x3a: {  	_ = 	snop  }
0x3b: {  	_ = 	snop  }
0x3c: {  	p2 =	seq.s32 s10, $0x1;
	s10 =	sld [smem:$0x3FAB]  }
0x3d: {  	_ =	shalt  }
0x3e: {  	_ =	shalt  }
0x3f: {  	_ =	shalt  }
0x40: {  	_ =	shalt  }
0x41: {  	_ =	shalt  }
0x42: {  	_ =	shalt  }
0x43: {  	_ =	shalt  }
0x44: {  	_ =	shalt  }
0x45: {  	_ =	shalt  }
0x46: {  	_ =	shalt  }
0x47: {  	_ =	shalt  }
0x48: {  	_ =	shalt  }
0x49: {  	_ =	shalt  }
0x4a: {  	_ =	shalt  }
0x4b: {  	_ =	shalt  }
0x4c: {  	_ =	shalt  }
0x4d: {  	_ =	shalt  }
0x4e: {  	_ =	shalt  }
0x4f: {  	_ =	shalt  }
0x50: {  	_ =	shalt  }
0x51: {  	_ =	shalt  }
0x52: {  	_ =	shalt  }
0x53: {  	_ =	shalt  }
0x54: {  	_ =	shalt  }
0x55: {  	_ =	shalt  }
0x56: {  	_ =	shalt  }
0x57: {  	_ =	shalt  }
0x58: {  	_ =	shalt  }
0x59: {  	_ =	shalt  }
0x5a: {  	_ =	shalt  }
0x5b: {  	_ =	shalt  }
0x5c: {  	_ =	shalt  }
0x5d: {  	_ =	shalt  }
0x5e: {  	_ =	shalt  }
0x5f: {  	_ =	shalt  }
0x60: {  	_ =	shalt  }
0x61: {  	_ =	shalt  }
0x62: {  	_ =	shalt  }
0x63: {  	_ =	shalt  }
0x64: {  	_ =	shalt  }
0x65: {  	_ =	shalt  }
0x66: {  	_ =	shalt  }
0x67: {  	_ =	shalt  }
0x68: {  	_ =	shalt  }
0x69: {  	_ =	shalt  }
0x6a: {  	_ =	shalt  }
0x6b: {  	_ =	shalt  }
0x6c: {  	_ =	shalt  }
0x6d: {  	_ =	shalt  }
0x6e: {  	_ =	shalt  }
0x6f: {  	_ =	shalt  }
0x70: {  	_ =	shalt  }
0x71: {  	_ =	shalt  }
0x72: {  	_ =	shalt  }
0x73: {  	_ =	shalt  }
0x74: {  	_ =	shalt  }
0x75: {  	_ =	shalt  }
0x76: {  	_ =	shalt  }
0x77: {  	_ =	shalt  }
0x78: {  	_ =	shalt  }
0x79: {  	_ =	shalt  }
0x7a: {  	_ =	shalt  }
0x7b: {  	_ =	shalt  }
0x7c: {  	_ =	shalt  }
0x7d: {  	_ =	shalt  }
0x7e: {  	_ =	shalt  }
0x7f: {  	_ =	shalt  }
0x80: {  	_ =	shalt  }
0x81: {  	_ =	shalt  }
0x82: {  	_ =	shalt  }
0x83: {  	_ =	shalt  }
0x84: {  	_ =	shalt  }
0x85: {  	_ =	shalt  }
0x86: {  	_ =	shalt  }
0x87: {  	_ =	shalt  }
.Lfunc_end0:
.L_simem_size_0:
called_computation_lowered:
.L_overlay_start_0:
0x88: {  	s2 =	sld [smem:$0x3FD9]  }
0x89: {  	s3 =	sld [smem:$0x3FFE];
	_ =	sdelay $0x1  }
0x8a: {  	s1 =	srdreg.scid  }
0x8b: {  	s0 =	sand.u32 $0x1, s1  }
0x8c: {  	s17 =	sshll.u32 s0, $0xA;
	s2 =	sadd.s32 s3, s2  }
0x8d: {  	s2 =	sadd.s32 s2, s17  }
0x8e: {  	[smem:$0x3FB7] =	sst s2  }
0x8f: {  	_ = 	snop  }
0x90: {  	s2 =	sld [smem:$0x3FC9]  }
0x91: {  	s18 =	sld [smem:$0x3FC8]  }
0x92: {  	s4 =	sld [smem:$0x3FC7]  }
0x93: {  	s5 =	sld [smem:$0x3FC6]  }
0x94: {  	s6 =	sld [smem:$0x3FC5]  }
0x95: {  	s7 =	sld [smem:$0x3FC4]  }
0x96: {  	s8 =	sld [smem:$0x3FD0];
	(tm) =	ssettm $0x1  }
0x97: {  	s9 =	sld [smem:$0x3FFB];
	_ =	sdelay $0x3  }
0x98: {  	_ =	strace s9  }
0x99: {  	s9 =	sld [smem:$0x3FFC];
	_ =	sdelay $0x3  }
0x9a: {  	_ =	strace s9  }
0x9b: {  	s9 =	sld [smem:$0x3FFD];
	_ =	sdelay $0x3  }
0x9c: {  	_ =	strace s9  }
0x9d: {  	_ =	strace $0x8FFFFFFF  }
0x9e: {  	s19 =	sld [smem:$0x3FDB];
	_ =	sdelay $0x1  }
0x9f: {  	s10 =	simm.s32 $_scs_section_size  }
0xa0: {  	s11 =	simm.s32 $_size__tile_overlayer_lowered;
	s12 =	simm.s32 $_tile_overlayer_lowered  }
0xa1: {  	s22 =	simm.s32 $0x1BFF;
	s21 =	sshll.u32 s12, $0x1;
	s9 =	sadd.s32 s10, s19  }
0xa2: {  	s13 =	simm.s32 $0x0;
	s20 =	sshll.u32 s11, $0x1;
	s11 =	sadd.s32 s21, s9  }
0xa3: {  	[timem:s13], [sflag:s22] =	dma.local [hbm:s11], s20  }
0xa4: {  	_ =	swait.ge [sflag:s22], s20  }
0xa5: {  	s10 =	ssub.s32 $0x0, s20;
	[sflag:s22] =	ssyncset.done $0x0  }
0xa6: {  	[sflag:s22] =	ssyncadd.s32 s10;
	_ =	sdelay $0x1  }
0xa7: {  	s23 =	simm.s32 $0x1B8B  }
0xa8: {  	_ =	swait.ge [sflag:s23], $0x1  }
0xa9: {  	[sflag:s23] =	ssyncset.done $0x0  }
0xaa: {  	s25 =	simm.s32 $0x1B8E;
	s24 =	sld [smem:$0x3FFE];
	[sflag:s23] =	ssyncadd.s32 $0xFFFFFFFF  }
0xab: {  	s26 =	simm.s32 $execute0_lowered;
	[smem:$0x3FD2] =	sst s25  }
0xac: {  	s11 =	sshll.u32 s26, $0x1;
	_ =	strace $0x80000046;
	[dreg:$0x1] =	wrdreg $0xFFFFFFFF  }
0xad: {  	s28 =	simm.s32 $_size_execute0_lowered;
	s9 =	sadd.s32 s9, s11;
	[dreg:$0x0] =	wrdreg $0x0  }
0xae: {  	s11 =	sshll.u32 s28, $0x1;
	[dreg:$0x2] =	wrdreg s9  }
0xaf: {  	[dreg:$0x3] =	wrdreg s11  }
0xb0: {  	[dreg:$0x4] =	wrdreg $0xC0  }
0xb1: {  	_ =	task [dreg:s13], $0x5FFFF  }
0xb2: {  	[dreg:$0x1] =	wrdreg $0xFFFFFFFF  }
0xb3: {  	[dreg:$0x0] =	wrdreg $0x60  }
0xb4: {  	[dreg:$0x2] =	wrdreg s8  }
0xb5: {  	[dreg:$0x3] =	wrdreg s18  }
0xb6: {  	[dreg:$0x4] =	wrdreg s4  }
0xb7: {  	[dreg:$0x5] =	wrdreg s5  }
0xb8: {  	[dreg:$0x6] =	wrdreg s6  }
0xb9: {  	[dreg:$0x7] =	wrdreg s7  }
0xba: {  	[dreg:$0x8] =	wrdreg s2  }
0xbb: {  	[dreg:$0x9] =	wrdreg s24  }
0xbc: {  	[dreg:$0xa] =	wrdreg $0x9  }
0xbd: {  	_ =	task.clear_ibuf [dreg:s13], $0xBFFFF;
	_ =	strace $0x90000046  }
0xbe: {  	s29 =	simm.s32 $0x9;
	_ =	strace $0x80000048  }
0xbf: {  	_ =	swait.ge [sflag:s29], $0x1  }
0xc0: {  	[sflag:s29] =	ssyncadd.s32 $0xFFFFFFFF  }
0xc1: {  	_ =	strace $0x90000048  }
0xc2: {  	_ =	sfence  }
0xc3: {  	s30 =	sld [smem:$0x0];
	_ =	sdelay $0x2  }
0xc4: {  	s31 =	sshll.u32 s1, $0xD;
	s1 =	sshrl.u32 s1, $0x2  }
0xc5: {  	s3 =	sand.u32 $0x4000, s31;
	s1 =	sadd.s32 s1, s30  }
0xc6: {  	s0 =	sor.u32 s3, s0;
	s1 =	sshll.u32 s1, $0x11  }
0xc7: {  	s0 =	sor.u32 s1, s0  }
0xc8: {  	s0 =	sadd.s32 $0x8F2B, s0  }
0xc9: {  	[sflag:s0] =	ssyncadd.remote.s32 $0x1  }
0xca: {  	_ =	sfence.sel $0xFFFF  }
0xcb: {  	[dreg:$0x0] =	wrdreg $0xFFFFFFFF;
	(pc) =	sbr.abs _section_cstart, $3  }
0xcc: {  	[dreg:$0x1] =	wrdreg $0xFFFFFFFF  }
0xcd: {  	_ =	task.clear_ibuf [dreg:s13], $0x2FFFF;
	_ =	strace $0x9FFFFFFF  }
0xce: {  	(tm) =	ssettm $0x7FFFFFFF  }
0xcf: {  	_ =	shalt  }
tec
execute0_lowered:
.L_overlay_start_1:
0x0: {  	(tag) =	ssettag $0x1  }
0x1: {  	s0 =	rddreg [dreg:$0x1]  }
0x2: {  	s1 =	rddreg [dreg:$0x2]  }
0x3: {  	s2 =	rddreg [dreg:$0x3]  }
0x4: {  	s7 =	rddreg [dreg:$0x4]  }
0x5: {  	s8 =	rddreg [dreg:$0x5]  }
0x6: {  	s9 =	rddreg [dreg:$0x6]  }
0x7: {  	s4 =	rddreg [dreg:$0x7]  }
0x8: {  	s5 =	srdreg.scid;
	s3 =	simm.s32 $0x0;
	s6 =	stileid.u32  }
0x9: {  	s18 =	simm.s32 $0x1;
	s22 =	simm.s32 $0x2;
	s5 =	sand.u32 $0x1, s5  }
0xa: {  	s23 =	simm.s32 $0x0;
	s6 =	sshll.u32 s6, $0xA;
	s10 =	sshll.u32 s5, $0x9  }
0xb: {  	[smem:$0x7FF] =	sst s3;
	s5 =	ssub.s32 $0x2, s5;
	s6 =	sor.u32 s10, s6  }
0xc: {  	_ =	strace $0x80000047;
	s30 =	sshrl.u32 s5, $0x1;
	s11 =	sshrl.u32 s6, $0x3  }
0xd: {  	s10 =	sadd.s32 s6, s4;
	s12 =	ssub.s32 s5, s30;
	s0 =	sadd.s32 s0, s11  }
0xe: {  	s31 =	sadd.s32 s1, s11;
	s6 =	sadd.s32 s2, s11;
	s7 =	sadd.s32 s7, s11  }
0xf: {  	s8 =	sadd.s32 s8, s11;
	s9 =	sadd.s32 s9, s11;
	[dreg:$0x9] =	wrdreg s0  }
0x10: {  	s10 =	sadd.s32 $0x1000, s10;
	s11 =	smax.u32 s12, $0x1;
	[dreg:$0xa] =	wrdreg s31  }
.LBB2_1:
0x11: {  	s0 =	rddreg [dreg:$0x0]  }
0x12: {  	[tilespmem:s3], [sflag:$0x1] =	stream.linear.gather [hbm4b:s0+s3], $0xF00, $0x38;
	[tilespmem:$0x9B00] =	vst v63  }
0x13: {  	s17 =	rddreg [dreg:$0x9];
	s1 =	simm.s32 $0xF00  }
0x14: {  	[tilespmem:s1], [sflag:$0x1] =	stream.linear.gather [hbm4b:s17+s3], $0x200, $0x38;
	[tilespmem:$0x9B00] =	vst v63  }
0x15: {  	s19 =	rddreg [dreg:$0xa];
	s20 =	simm.s32 $0x1100  }
0x16: {  	[tilespmem:s20], [sflag:$0x1] =	stream.linear.gather [hbm4b:s19+s3], $0x200, $0x38;
	[tilespmem:$0x9B00] =	vst v63  }
0x17: {  	s21 =	simm.s32 $0x1300  }
0x18: {  	[tilespmem:s21], [sflag:$0x1] =	stream.linear.gather [hbm4b:s6+s3], $0x200, $0x38;
	[tilespmem:$0x9B00] =	vst v63  }
0x19: {  	s24 =	simm.s32 $0x1500  }
0x1a: {  	[tilespmem:s24], [sflag:$0x1] =	stream.linear.gather [hbm4b:s7+s3], $0x200, $0x38;
	[tilespmem:$0x9B00] =	vst v63  }
0x1b: {  	s25 =	simm.s32 $0x1700  }
0x1c: {  	[tilespmem:s25], [sflag:$0x1] =	stream.linear.gather [hbm4b:s8+s3], $0x200, $0x38;
	[tilespmem:$0x9B00] =	vst v63  }
0x1d: {  	s26 =	simm.s32 $0x1900  }
0x1e: {  	[tilespmem:s26], [sflag:$0x1] =	stream.linear.gather [hbm4b:s9+s3], $0x200, $0x38;
	[tilespmem:$0x9B00] =	vst v63  }
0x1f: {  	_ =	swait.ge [sflag:s18], $0xF00  }
0x20: {  	[sflag:s18] =	ssyncset.done $0x0  }
0x21: {  	[sflag:s18] =	ssyncadd.s32 $0xFFFFF100  }
0x22: {  	_ =	swait.ge [sflag:s18], $0x200  }
0x23: {  	[sflag:s18] =	ssyncset.done $0x0  }
0x24: {  	[sflag:s18] =	ssyncadd.s32 $0xFFFFFE00  }
0x25: {  	_ =	swait.ge [sflag:s18], $0x200  }
0x26: {  	[sflag:s18] =	ssyncset.done $0x0  }
0x27: {  	[sflag:s18] =	ssyncadd.s32 $0xFFFFFE00  }
0x28: {  	_ =	swait.ge [sflag:s18], $0x200  }
0x29: {  	[sflag:s18] =	ssyncset.done $0x0  }
0x2a: {  	[sflag:s18] =	ssyncadd.s32 $0xFFFFFE00  }
0x2b: {  	_ =	swait.ge [sflag:s18], $0x200  }
0x2c: {  	[sflag:s18] =	ssyncset.done $0x0  }
0x2d: {  	[sflag:s18] =	ssyncadd.s32 $0xFFFFFE00  }
0x2e: {  	_ =	swait.ge [sflag:s18], $0x200  }
0x2f: {  	[sflag:s18] =	ssyncset.done $0x0  }
0x30: {  	p0 =	por $0x0, $0x0;
	s28 =	simm.s32 $0x0;
	[sflag:s18] =	ssyncadd.s32 $0xFFFFFE00  }
0x31: {  	s29 =	simm.s32 $0x0;
	s30 =	simm.s32 $0x0;
	_ =	swait.ge [sflag:s18], $0x200  }
0x32: {  	s31 =	simm.s32 $0x0;
	s24 =	simm.s32 $0xFFFFFFFC;
	[sflag:s18] =	ssyncset.done $0x0  }
0x33: {  	s25 =	simm.s32 $0x1320;
	s26 =	simm.s32 $0x1920;
	[sflag:s18] =	ssyncadd.s32 $0xFFFFFE00  }
.LBB2_2:
0x34: {  	v0 =	vld [tilespmem:s25+$0xFFFFFBE0]  }
0x35: {  	v1 =	vld [tilespmem:s25+$0xFFFFFBF0]  }
0x36: {  	v2 =	vld [tilespmem:s25+$0xFFFFFC00]  }
0x37: {  	v3 =	vld [tilespmem:s25+$0xFFFFFC10];
	_ =	sdelay $0x1  }
0x38: {  	v0 =	vmul.u32 $0x21, v0  }
0x39: {  	v1 =	vmul.u32 $0x21, v1  }
0x3a: {  	v2 =	vmul.u32 $0x21, v2  }
0x3b: {  	v3 =	vmul.u32 $0x21, v3;
	_ =	sdelay $0x2  }
0x3c: {  	v4 =	vld.idx.msk [tilespmem:v0+s3+$0x0], $0xffff  }
0x3d: {  	v5 =	vadd.s32 $0x1, v0;
	v6 =	vld.idx.msk [tilespmem:v1+s3+$0x0], $0xffff  }
0x3e: {  	s1 =	sand.u32 $0xC00, s31;
	v7 =	vadd.s32 $0x1, v1;
	v8 =	vld.idx.msk [tilespmem:v2+s3+$0x0], $0xffff  }
0x3f: {  	s2 =	sand.u32 $0x40, s28;
	s15 =	sadd.s32 $0x10, s28;
	s14 =	sadd.s32 $0x1B00, s1;
	v9 =	vadd.s32 $0x1, v2;
	v10 =	vld.idx.msk [tilespmem:v3+s3+$0x0], $0xffff  }
0x40: {  	s16 =	sadd.s32 $0x20, s28;
	s0 =	sand.u32 $0x50, s15;
	s19 =	sor.u32 s2, s14;
	v11 =	vadd.s32 $0x1, v3  }
0x41: {  	s17 =	sadd.s32 $0x30, s28;
	s12 =	sand.u32 $0x60, s16;
	s20 =	sor.u32 s0, s14;
	[tilespmem:s19+$0x0] =	vst v4  }
0x42: {  	s13 =	sand.u32 $0x70, s17;
	s21 =	sor.u32 s12, s14;
	[tilespmem:s20+$0x0] =	vst v6;
	v4 =	vld.idx.msk [tilespmem:v5+s3+$0x0], $0xffff  }
0x43: {  	s14 =	sor.u32 s13, s14;
	v28 =	vadd.s32 $0x2, v0;
	[tilespmem:s21+$0x0] =	vst v8;
	v6 =	vld.idx.msk [tilespmem:v7+s3+$0x0], $0xffff  }
0x44: {  	v29 =	vadd.s32 $0x2, v1;
	[tilespmem:s14+$0x0] =	vst v10;
	v8 =	vld.idx.msk [tilespmem:v9+s3+$0x0], $0xffff  }
0x45: {  	v30 =	vadd.s32 $0x2, v2;
	v10 =	vld.idx.msk [tilespmem:v11+s3+$0x0], $0xffff  }
0x46: {  	v31 =	vadd.s32 $0x2, v3  }
0x47: {  	[tilespmem:s19+$0x80] =	vst v4  }
0x48: {  	[tilespmem:s20+$0x80] =	vst v6;
	v4 =	vld.idx.msk [tilespmem:v28+s3+$0x0], $0xffff  }
0x49: {  	v32 =	vadd.s32 $0x3, v0;
	[tilespmem:s21+$0x80] =	vst v8;
	v6 =	vld.idx.msk [tilespmem:v29+s3+$0x0], $0xffff  }
0x4a: {  	v33 =	vadd.s32 $0x3, v1;
	[tilespmem:s14+$0x80] =	vst v10;
	v8 =	vld.idx.msk [tilespmem:v30+s3+$0x0], $0xffff  }
0x4b: {  	v34 =	vadd.s32 $0x3, v2;
	v10 =	vld.idx.msk [tilespmem:v31+s3+$0x0], $0xffff  }
0x4c: {  	v35 =	vadd.s32 $0x3, v3  }
0x4d: {  	[tilespmem:s19+$0x100] =	vst v4  }
0x4e: {  	[tilespmem:s20+$0x100] =	vst v6;
	v4 =	vld.idx.msk [tilespmem:v32+s3+$0x0], $0xffff  }
0x4f: {  	v36 =	vadd.s32 $0x4, v0;
	[tilespmem:s21+$0x100] =	vst v8;
	v6 =	vld.idx.msk [tilespmem:v33+s3+$0x0], $0xffff  }
0x50: {  	v37 =	vadd.s32 $0x4, v1;
	[tilespmem:s14+$0x100] =	vst v10;
	v8 =	vld.idx.msk [tilespmem:v34+s3+$0x0], $0xffff  }
0x51: {  	v38 =	vadd.s32 $0x4, v2;
	v10 =	vld.idx.msk [tilespmem:v35+s3+$0x0], $0xffff  }
0x52: {  	v39 =	vadd.s32 $0x4, v3  }
0x53: {  	[tilespmem:s19+$0x180] =	vst v4  }
0x54: {  	s19 =	simm.s32 $0x1;
	[tilespmem:s20+$0x180] =	vst v6;
	v4 =	vld.idx.msk [tilespmem:v36+s3+$0x0], $0xffff  }
0x55: {  	s4 =	sand.u32 $0x7, s30;
	v40 =	vadd.s32 $0x5, v0;
	[tilespmem:s21+$0x180] =	vst v8;
	s19 =	simm.s32 @!p0 $0x0;
	v6 =	vld.idx.msk [tilespmem:v37+s3+$0x0], $0xffff  }
0x56: {  	s5 =	sand.u32 $0x3, s29;
	v41 =	vadd.s32 $0x5, v1;
	s20 =	sshll.u32 s4, $0x4;
	[tilespmem:s14+$0x180] =	vst v10;
	v8 =	vld.idx.msk [tilespmem:v38+s3+$0x0], $0xffff;
	s19 =	sshll.u32 s19, $0x6  }
0x57: {  	v42 =	vadd.s32 $0x5, v2;
	s4 =	sshll.u32 s5, $0x5;
	s14 =	sadd.s32 s31, s20;
	v10 =	vld.idx.msk [tilespmem:v39+s3+$0x0], $0xffff;
	s19 =	sadd.s32 s19, s31  }
0x58: {  	v43 =	vadd.s32 $0x5, v3;
	s20 =	sadd.s32 s31, s4;
	s4 =	sadd.s32 $0x10, s14;
	s5 =	sor.u32 $0x200, s19  }
0x59: {  	s20 =	sadd.s32 $0x20, s20;
	[tilespmem:s5+$0x1B00] =	vst v4;
	s5 =	sor.u32 $0x200, s4  }
0x5a: {  	s21 =	sor.u32 $0x200, s20;
	v4 =	vld.idx.msk [tilespmem:v40+s3+$0x0], $0xffff;
	[tilespmem:s5+$0x1B00] =	vst v6;
	s5 =	sadd.s32 $0x30, s14  }
0x5b: {  	v0 =	vadd.s32 $0x6, v0;
	[tilespmem:s21+$0x1B00] =	vst v8;
	v44 =	vld.idx.msk [tilespmem:v41+s3+$0x0], $0xffff;
	s14 =	sor.u32 $0x200, s5  }
0x5c: {  	v1 =	vadd.s32 $0x6, v1;
	v45 =	vld.idx.msk [tilespmem:v42+s3+$0x0], $0xffff;
	[tilespmem:s14+$0x1B00] =	vst v10  }
0x5d: {  	v2 =	vadd.s32 $0x6, v2;
	v46 =	vld.idx.msk [tilespmem:v43+s3+$0x0], $0xffff  }
0x5e: {  	v3 =	vadd.s32 $0x6, v3;
	s21 =	sor.u32 $0x280, s19  }
0x5f: {  	[tilespmem:s21+$0x1B00] =	vst v4;
	s21 =	sor.u32 $0x280, s4  }
0x60: {  	v0 =	vld.idx.msk [tilespmem:v0+s3+$0x0], $0xffff;
	[tilespmem:s21+$0x1B00] =	vst v44;
	s21 =	sor.u32 $0x280, s20  }
0x61: {  	v1 =	vld.idx.msk [tilespmem:v1+s3+$0x0], $0xffff;
	[tilespmem:s21+$0x1B00] =	vst v45;
	s21 =	sor.u32 $0x280, s5  }
0x62: {  	[tilespmem:s21+$0x1B00] =	vst v46;
	v2 =	vld.idx.msk [tilespmem:v2+s3+$0x0], $0xffff  }
0x63: {  	v3 =	vld.idx.msk [tilespmem:v3+s3+$0x0], $0xffff  }
0x64: {  	s19 =	sor.u32 $0x300, s19  }
0x65: {  	s14 =	sand.u32 $0x1C0, s28;
	s4 =	sor.u32 $0x300, s4;
	[tilespmem:s19+$0x1B00] =	vst v0  }
0x66: {  	s20 =	sor.u32 $0x300, s20;
	[tilespmem:s4+$0x1B00] =	vst v1;
	v0 =	vld [tilespmem:s14+$0x1100]  }
0x67: {  	s21 =	sor.u32 $0x300, s5;
	[tilespmem:s20+$0x1B00] =	vst v2;
	v1 =	vld [tilespmem:s25+$0xFFFFFDF0]  }
0x68: {  	v47 =	vld [tilespmem:s25+$0xFFFFFE00];
	[tilespmem:s21+$0x1B00] =	vst v3  }
0x69: {  	v48 =	vld [tilespmem:s25+$0xFFFFFE10];
	_ =	sdelay $0x1  }
0x6a: {  	v3 =	vmul.u32 $0x21, v0  }
0x6b: {  	v2 =	vmul.u32 $0x21, v1  }
0x6c: {  	v49 =	vadd.s32 $0x1AD, v3;
	v1 =	vmul.u32 $0x21, v47  }
0x6d: {  	v50 =	vadd.s32 $0x1AD, v2;
	v0 =	vmul.u32 $0x21, v48  }
0x6e: {  	v51 =	vadd.s32 $0x1AD, v1  }
0x6f: {  	v52 =	vadd.s32 $0x1AD, v0;
	_ =	sdelay $0x1  }
0x70: {  	v6 =	vld.idx.msk [tilespmem:v49+s3+$0x0], $0xffff  }
0x71: {  	v53 =	vadd.s32 $0x1AE, v3;
	v4 =	vld.idx.msk [tilespmem:v50+s3+$0x0], $0xffff  }
0x72: {  	v54 =	vadd.s32 $0x1AE, v2;
	v5 =	vld.idx.msk [tilespmem:v51+s3+$0x0], $0xffff  }
0x73: {  	s5 =	sor.u32 s28, s31;
	v55 =	vadd.s32 $0x1AE, v1;
	v7 =	vld.idx.msk [tilespmem:v52+s3+$0x0], $0xffff  }
0x74: {  	s19 =	sor.u32 s15, s31;
	s4 =	sor.u32 $0x380, s5;
	v56 =	vadd.s32 $0x1AE, v0  }
0x75: {  	s20 =	sor.u32 $0x380, s19;
	s21 =	sor.u32 s16, s31;
	[tilespmem:s4+$0x1B00] =	vst v6  }
0x76: {  	s15 =	sor.u32 s17, s31;
	s5 =	sor.u32 $0x380, s21;
	[tilespmem:s20+$0x1B00] =	vst v4;
	v57 =	vld.idx.msk [tilespmem:v53+s3+$0x0], $0xffff  }
0x77: {  	s16 =	sor.u32 $0x380, s15;
	v58 =	vadd.s32 $0x1AF, v3;
	v59 =	vld.idx.msk [tilespmem:v54+s3+$0x0], $0xffff;
	[tilespmem:s5+$0x1B00] =	vst v5  }
0x78: {  	v60 =	vadd.s32 $0x1AF, v2;
	v61 =	vld.idx.msk [tilespmem:v55+s3+$0x0], $0xffff;
	[tilespmem:s16+$0x1B00] =	vst v7  }
0x79: {  	s17 =	sadd.s32 $0x2B00, s1;
	v62 =	vadd.s32 $0x1AF, v1;
	v63 =	vld.idx.msk [tilespmem:v56+s3+$0x0], $0xffff  }
0x7a: {  	s19 =	sor.u32 s2, s17;
	v12 =	vadd.s32 $0x1AF, v0  }
0x7b: {  	s20 =	sor.u32 s0, s17;
	[tilespmem:s19+$0x0] =	vst v57  }
0x7c: {  	s21 =	sor.u32 s12, s17;
	v4 =	vld.idx.msk [tilespmem:v58+s3+$0x0], $0xffff;
	[tilespmem:s20+$0x0] =	vst v59  }
0x7d: {  	v13 =	vadd.s32 $0x1B0, v3;
	s4 =	sor.u32 s13, s17;
	v5 =	vld.idx.msk [tilespmem:v60+s3+$0x0], $0xffff;
	[tilespmem:s21+$0x0] =	vst v61  }
0x7e: {  	v14 =	vadd.s32 $0x1B0, v2;
	v7 =	vld.idx.msk [tilespmem:v62+s3+$0x0], $0xffff;
	[tilespmem:s4+$0x0] =	vst v63  }
0x7f: {  	s15 =	sadd.s32 $0x2B80, s1;
	v15 =	vadd.s32 $0x1B0, v1;
	v10 =	vld.idx.msk [tilespmem:v12+s3+$0x0], $0xffff  }
0x80: {  	v16 =	vadd.s32 $0x1B0, v0;
	s16 =	sor.u32 s2, s15  }
0x81: {  	s17 =	sor.u32 s0, s15;
	[tilespmem:s16+$0x0] =	vst v4  }
0x82: {  	s19 =	sor.u32 s12, s15;
	v4 =	vld.idx.msk [tilespmem:v13+s3+$0x0], $0xffff;
	[tilespmem:s17+$0x0] =	vst v5  }
0x83: {  	v17 =	vadd.s32 $0x1B1, v3;
	s4 =	sor.u32 s13, s15;
	v18 =	vld.idx.msk [tilespmem:v14+s3+$0x0], $0xffff;
	[tilespmem:s19+$0x0] =	vst v7  }
0x84: {  	v19 =	vadd.s32 $0x1B1, v2;
	v20 =	vld.idx.msk [tilespmem:v15+s3+$0x0], $0xffff;
	[tilespmem:s4+$0x0] =	vst v10  }
0x85: {  	v21 =	vadd.s32 $0x1B1, v1;
	s20 =	sadd.s32 $0x2C00, s1;
	v10 =	vld.idx.msk [tilespmem:v16+s3+$0x0], $0xffff  }
0x86: {  	v22 =	vadd.s32 $0x1B1, v0;
	s21 =	sor.u32 s2, s20  }
0x87: {  	s15 =	sor.u32 s0, s20;
	[tilespmem:s21+$0x0] =	vst v4  }
0x88: {  	s16 =	sor.u32 s12, s20;
	v4 =	vld.idx.msk [tilespmem:v17+s3+$0x0], $0xffff;
	[tilespmem:s15+$0x0] =	vst v18  }
0x89: {  	v23 =	vadd.s32 $0x1B2, v3;
	s4 =	sor.u32 s13, s20;
	v6 =	vld.idx.msk [tilespmem:v19+s3+$0x0], $0xffff;
	[tilespmem:s16+$0x0] =	vst v20  }
0x8a: {  	v24 =	vadd.s32 $0x1B2, v2;
	v8 =	vld.idx.msk [tilespmem:v21+s3+$0x0], $0xffff;
	[tilespmem:s4+$0x0] =	vst v10  }
0x8b: {  	v25 =	vadd.s32 $0x1B2, v1;
	s17 =	sadd.s32 $0x2C80, s1;
	v10 =	vld.idx.msk [tilespmem:v22+s3+$0x0], $0xffff  }
0x8c: {  	v26 =	vadd.s32 $0x1B2, v0;
	s19 =	sor.u32 s2, s17  }
0x8d: {  	s20 =	sor.u32 s0, s17;
	[tilespmem:s19+$0x0] =	vst v4  }
0x8e: {  	s21 =	sor.u32 s12, s17;
	v4 =	vld.idx.msk [tilespmem:v23+s3+$0x0], $0xffff;
	[tilespmem:s20+$0x0] =	vst v6  }
0x8f: {  	v27 =	vadd.s32 $0x1B3, v3;
	s4 =	sor.u32 s13, s17;
	v6 =	vld.idx.msk [tilespmem:v24+s3+$0x0], $0xffff;
	[tilespmem:s21+$0x0] =	vst v8  }
0x90: {  	v28 =	vadd.s32 $0x1B3, v2;
	v8 =	vld.idx.msk [tilespmem:v25+s3+$0x0], $0xffff;
	[tilespmem:s4+$0x0] =	vst v10  }
0x91: {  	v29 =	vadd.s32 $0x1B3, v1;
	s15 =	sadd.s32 $0x2D00, s1;
	v10 =	vld.idx.msk [tilespmem:v26+s3+$0x0], $0xffff  }
0x92: {  	v30 =	vadd.s32 $0x1B3, v0;
	s16 =	sor.u32 s2, s15  }
0x93: {  	s17 =	sor.u32 s0, s15;
	[tilespmem:s16+$0x0] =	vst v4  }
0x94: {  	s19 =	sor.u32 s12, s15;
	v4 =	vld.idx.msk [tilespmem:v27+s3+$0x0], $0xffff;
	[tilespmem:s17+$0x0] =	vst v6  }
0x95: {  	v31 =	vadd.s32 $0x1B4, v3;
	s4 =	sor.u32 s13, s15;
	v6 =	vld.idx.msk [tilespmem:v28+s3+$0x0], $0xffff;
	[tilespmem:s19+$0x0] =	vst v8  }
0x96: {  	v32 =	vadd.s32 $0x1B4, v2;
	v8 =	vld.idx.msk [tilespmem:v29+s3+$0x0], $0xffff;
	[tilespmem:s4+$0x0] =	vst v10  }
0x97: {  	v33 =	vadd.s32 $0x1B4, v1;
	s20 =	sadd.s32 $0x2D80, s1;
	v10 =	vld.idx.msk [tilespmem:v30+s3+$0x0], $0xffff  }
0x98: {  	v34 =	vadd.s32 $0x1B4, v0;
	s21 =	sor.u32 s2, s20  }
0x99: {  	s15 =	sor.u32 s0, s20;
	[tilespmem:s21+$0x0] =	vst v4  }
0x9a: {  	s16 =	sor.u32 s12, s20;
	v4 =	vld.idx.msk [tilespmem:v31+s3+$0x0], $0xffff;
	[tilespmem:s15+$0x0] =	vst v6  }
0x9b: {  	v35 =	vadd.s32 $0x1B5, v3;
	s4 =	sor.u32 s13, s20;
	v6 =	vld.idx.msk [tilespmem:v32+s3+$0x0], $0xffff;
	[tilespmem:s16+$0x0] =	vst v8  }
0x9c: {  	v36 =	vadd.s32 $0x1B5, v2;
	v8 =	vld.idx.msk [tilespmem:v33+s3+$0x0], $0xffff;
	[tilespmem:s4+$0x0] =	vst v10  }
0x9d: {  	v37 =	vadd.s32 $0x1B5, v1;
	s17 =	sadd.s32 $0x2E00, s1;
	v10 =	vld.idx.msk [tilespmem:v34+s3+$0x0], $0xffff  }
0x9e: {  	v38 =	vadd.s32 $0x1B5, v0;
	s19 =	sor.u32 s2, s17  }
0x9f: {  	s20 =	sor.u32 s0, s17;
	[tilespmem:s19+$0x0] =	vst v4  }
0xa0: {  	s21 =	sor.u32 s12, s17;
	v4 =	vld.idx.msk [tilespmem:v35+s3+$0x0], $0xffff;
	[tilespmem:s20+$0x0] =	vst v6  }
0xa1: {  	v39 =	vadd.s32 $0x1B6, v3;
	s4 =	sor.u32 s13, s17;
	v6 =	vld.idx.msk [tilespmem:v36+s3+$0x0], $0xffff;
	[tilespmem:s21+$0x0] =	vst v8  }
0xa2: {  	v40 =	vadd.s32 $0x1B6, v2;
	v8 =	vld.idx.msk [tilespmem:v37+s3+$0x0], $0xffff;
	[tilespmem:s4+$0x0] =	vst v10  }
0xa3: {  	v41 =	vadd.s32 $0x1B6, v1;
	s15 =	sadd.s32 $0x2E80, s1;
	v10 =	vld.idx.msk [tilespmem:v38+s3+$0x0], $0xffff  }
0xa4: {  	v42 =	vadd.s32 $0x1B6, v0;
	s16 =	sor.u32 s2, s15  }
0xa5: {  	s17 =	sor.u32 s0, s15;
	[tilespmem:s16+$0x0] =	vst v4  }
0xa6: {  	s19 =	sor.u32 s12, s15;
	v4 =	vld.idx.msk [tilespmem:v39+s3+$0x0], $0xffff;
	[tilespmem:s17+$0x0] =	vst v6  }
0xa7: {  	v43 =	vadd.s32 $0x1B7, v3;
	s4 =	sor.u32 s13, s15;
	v6 =	vld.idx.msk [tilespmem:v40+s3+$0x0], $0xffff;
	[tilespmem:s19+$0x0] =	vst v8  }
0xa8: {  	v44 =	vadd.s32 $0x1B7, v2;
	v8 =	vld.idx.msk [tilespmem:v41+s3+$0x0], $0xffff;
	[tilespmem:s4+$0x0] =	vst v10  }
0xa9: {  	v45 =	vadd.s32 $0x1B7, v1;
	s20 =	sadd.s32 $0x3B00, s1;
	v10 =	vld.idx.msk [tilespmem:v42+s3+$0x0], $0xffff  }
0xaa: {  	v46 =	vadd.s32 $0x1B7, v0;
	s21 =	sor.u32 s2, s20  }
0xab: {  	s15 =	sor.u32 s0, s20;
	[tilespmem:s21+$0x0] =	vst v4  }
0xac: {  	s16 =	sor.u32 s12, s20;
	v4 =	vld.idx.msk [tilespmem:v43+s3+$0x0], $0xffff;
	[tilespmem:s15+$0x0] =	vst v6  }
0xad: {  	v47 =	vadd.s32 $0x1B8, v3;
	s4 =	sor.u32 s13, s20;
	v6 =	vld.idx.msk [tilespmem:v44+s3+$0x0], $0xffff;
	[tilespmem:s16+$0x0] =	vst v8  }
0xae: {  	v48 =	vadd.s32 $0x1B8, v2;
	v8 =	vld.idx.msk [tilespmem:v45+s3+$0x0], $0xffff;
	[tilespmem:s4+$0x0] =	vst v10  }
0xaf: {  	v49 =	vadd.s32 $0x1B8, v1;
	s17 =	sadd.s32 $0x3B80, s1;
	v10 =	vld.idx.msk [tilespmem:v46+s3+$0x0], $0xffff  }
0xb0: {  	v50 =	vadd.s32 $0x1B8, v0;
	s19 =	sor.u32 s2, s17  }
0xb1: {  	s20 =	sor.u32 s0, s17;
	[tilespmem:s19+$0x0] =	vst v4  }
0xb2: {  	s21 =	sor.u32 s12, s17;
	v4 =	vld.idx.msk [tilespmem:v47+s3+$0x0], $0xffff;
	[tilespmem:s20+$0x0] =	vst v6  }
0xb3: {  	v51 =	vadd.s32 $0x1B9, v3;
	s4 =	sor.u32 s13, s17;
	v6 =	vld.idx.msk [tilespmem:v48+s3+$0x0], $0xffff;
	[tilespmem:s21+$0x0] =	vst v8  }
0xb4: {  	v52 =	vadd.s32 $0x1B9, v2;
	v8 =	vld.idx.msk [tilespmem:v49+s3+$0x0], $0xffff;
	[tilespmem:s4+$0x0] =	vst v10  }
0xb5: {  	v53 =	vadd.s32 $0x1B9, v1;
	s15 =	sadd.s32 $0x3C00, s1;
	v10 =	vld.idx.msk [tilespmem:v50+s3+$0x0], $0xffff  }
0xb6: {  	v54 =	vadd.s32 $0x1B9, v0;
	s16 =	sor.u32 s2, s15  }
0xb7: {  	s17 =	sor.u32 s0, s15;
	[tilespmem:s16+$0x0] =	vst v4  }
0xb8: {  	s19 =	sor.u32 s12, s15;
	v4 =	vld.idx.msk [tilespmem:v51+s3+$0x0], $0xffff;
	[tilespmem:s17+$0x0] =	vst v6  }
0xb9: {  	v55 =	vadd.s32 $0x1BA, v3;
	s4 =	sor.u32 s13, s15;
	v6 =	vld.idx.msk [tilespmem:v52+s3+$0x0], $0xffff;
	[tilespmem:s19+$0x0] =	vst v8  }
0xba: {  	v56 =	vadd.s32 $0x1BA, v2;
	v8 =	vld.idx.msk [tilespmem:v53+s3+$0x0], $0xffff;
	[tilespmem:s4+$0x0] =	vst v10  }
0xbb: {  	v57 =	vadd.s32 $0x1BA, v1;
	s20 =	sadd.s32 $0x3C80, s1;
	v10 =	vld.idx.msk [tilespmem:v54+s3+$0x0], $0xffff  }
0xbc: {  	v58 =	vadd.s32 $0x1BA, v0;
	s21 =	sor.u32 s2, s20  }
0xbd: {  	s15 =	sor.u32 s0, s20;
	[tilespmem:s21+$0x0] =	vst v4  }
0xbe: {  	s16 =	sor.u32 s12, s20;
	v4 =	vld.idx.msk [tilespmem:v55+s3+$0x0], $0xffff;
	[tilespmem:s15+$0x0] =	vst v6  }
0xbf: {  	v59 =	vadd.s32 $0x1BB, v3;
	s4 =	sor.u32 s13, s20;
	v6 =	vld.idx.msk [tilespmem:v56+s3+$0x0], $0xffff;
	[tilespmem:s16+$0x0] =	vst v8  }
0xc0: {  	v60 =	vadd.s32 $0x1BB, v2;
	v8 =	vld.idx.msk [tilespmem:v57+s3+$0x0], $0xffff;
	[tilespmem:s4+$0x0] =	vst v10  }
0xc1: {  	v61 =	vadd.s32 $0x1BB, v1;
	s17 =	sadd.s32 $0x3D00, s1;
	v10 =	vld.idx.msk [tilespmem:v58+s3+$0x0], $0xffff  }
0xc2: {  	v62 =	vadd.s32 $0x1BB, v0;
	s19 =	sor.u32 s2, s17  }
0xc3: {  	s20 =	sor.u32 s0, s17;
	[tilespmem:s19+$0x0] =	vst v4  }
0xc4: {  	s21 =	sor.u32 s12, s17;
	v4 =	vld.idx.msk [tilespmem:v59+s3+$0x0], $0xffff;
	[tilespmem:s20+$0x0] =	vst v6  }
0xc5: {  	v3 =	vadd.s32 $0x1BC, v3;
	s4 =	sor.u32 s13, s17;
	v63 =	vld.idx.msk [tilespmem:v60+s3+$0x0], $0xffff;
	[tilespmem:s21+$0x0] =	vst v8  }
0xc6: {  	v2 =	vadd.s32 $0x1BC, v2;
	v9 =	vld.idx.msk [tilespmem:v61+s3+$0x0], $0xffff;
	[tilespmem:s4+$0x0] =	vst v10  }
0xc7: {  	v1 =	vadd.s32 $0x1BC, v1;
	s15 =	sadd.s32 $0x3D80, s1;
	v12 =	vld.idx.msk [tilespmem:v62+s3+$0x0], $0xffff  }
0xc8: {  	v0 =	vadd.s32 $0x1BC, v0;
	s16 =	sor.u32 s2, s15  }
0xc9: {  	s17 =	sor.u32 s0, s15;
	[tilespmem:s16+$0x0] =	vst v4  }
0xca: {  	s19 =	sor.u32 s12, s15;
	v3 =	vld.idx.msk [tilespmem:v3+s3+$0x0], $0xffff;
	[tilespmem:s17+$0x0] =	vst v63  }
0xcb: {  	s4 =	sor.u32 s13, s15;
	v2 =	vld.idx.msk [tilespmem:v2+s3+$0x0], $0xffff;
	[tilespmem:s19+$0x0] =	vst v9  }
0xcc: {  	v1 =	vld.idx.msk [tilespmem:v1+s3+$0x0], $0xffff;
	[tilespmem:s4+$0x0] =	vst v12  }
0xcd: {  	s20 =	sadd.s32 $0x3E00, s1;
	v0 =	vld.idx.msk [tilespmem:v0+s3+$0x0], $0xffff  }
0xce: {  	s21 =	sor.u32 s2, s20  }
0xcf: {  	s15 =	sor.u32 s0, s20;
	[tilespmem:s21+$0x0] =	vst v3  }
0xd0: {  	s16 =	sor.u32 s12, s20;
	v3 =	vld [tilespmem:s14+$0x1300];
	[tilespmem:s15+$0x0] =	vst v2  }
0xd1: {  	s4 =	sor.u32 s13, s20;
	v2 =	vld [tilespmem:s25+$0xFFFFFFF0];
	[tilespmem:s16+$0x0] =	vst v1  }
0xd2: {  	v1 =	vld [tilespmem:s25+$0x0];
	[tilespmem:s4+$0x0] =	vst v0  }
0xd3: {  	v0 =	vld [tilespmem:s25+$0x10];
	_ =	sdelay $0x1  }
0xd4: {  	v3 =	vmul.u32 $0x21, v3  }
0xd5: {  	v2 =	vmul.u32 $0x21, v2  }
0xd6: {  	v13 =	vadd.s32 $0x5CD, v3;
	v1 =	vmul.u32 $0x21, v1  }
0xd7: {  	v14 =	vadd.s32 $0x5CD, v2;
	v0 =	vmul.u32 $0x21, v0  }
0xd8: {  	v15 =	vadd.s32 $0x5CD, v1  }
0xd9: {  	v16 =	vadd.s32 $0x5CD, v0;
	_ =	sdelay $0x1  }
0xda: {  	v4 =	vld.idx.msk [tilespmem:v13+s3+$0x0], $0xffff  }
0xdb: {  	v17 =	vadd.s32 $0x5CE, v3;
	v5 =	vld.idx.msk [tilespmem:v14+s3+$0x0], $0xffff  }
0xdc: {  	v18 =	vadd.s32 $0x5CE, v2;
	v6 =	vld.idx.msk [tilespmem:v15+s3+$0x0], $0xffff  }
0xdd: {  	s17 =	sadd.s32 $0x3E80, s1;
	v19 =	vadd.s32 $0x5CE, v1;
	v7 =	vld.idx.msk [tilespmem:v16+s3+$0x0], $0xffff  }
0xde: {  	s19 =	sor.u32 s2, s17;
	v20 =	vadd.s32 $0x5CE, v0  }
0xdf: {  	s20 =	sor.u32 s0, s17;
	[tilespmem:s19+$0x0] =	vst v4  }
0xe0: {  	s21 =	sor.u32 s12, s17;
	v4 =	vld.idx.msk [tilespmem:v17+s3+$0x0], $0xffff;
	[tilespmem:s20+$0x0] =	vst v5  }
0xe1: {  	s4 =	sor.u32 s13, s17;
	v21 =	vadd.s32 $0x5CF, v3;
	v22 =	vld.idx.msk [tilespmem:v18+s3+$0x0], $0xffff;
	[tilespmem:s21+$0x0] =	vst v6  }
0xe2: {  	v23 =	vadd.s32 $0x5CF, v2;
	v24 =	vld.idx.msk [tilespmem:v19+s3+$0x0], $0xffff;
	[tilespmem:s4+$0x0] =	vst v7  }
0xe3: {  	s15 =	sadd.s32 $0x4B00, s1;
	v25 =	vadd.s32 $0x5CF, v1;
	v26 =	vld.idx.msk [tilespmem:v20+s3+$0x0], $0xffff  }
0xe4: {  	s16 =	sor.u32 s2, s15;
	v27 =	vadd.s32 $0x5CF, v0  }
0xe5: {  	s17 =	sor.u32 s0, s15;
	[tilespmem:s16+$0x0] =	vst v4  }
0xe6: {  	s19 =	sor.u32 s12, s15;
	v4 =	vld.idx.msk [tilespmem:v21+s3+$0x0], $0xffff;
	[tilespmem:s17+$0x0] =	vst v22  }
0xe7: {  	v3 =	vadd.s32 $0x5D0, v3;
	s4 =	sor.u32 s13, s15;
	v28 =	vld.idx.msk [tilespmem:v23+s3+$0x0], $0xffff;
	[tilespmem:s19+$0x0] =	vst v24  }
0xe8: {  	v2 =	vadd.s32 $0x5D0, v2;
	v29 =	vld.idx.msk [tilespmem:v25+s3+$0x0], $0xffff;
	[tilespmem:s4+$0x0] =	vst v26  }
0xe9: {  	v1 =	vadd.s32 $0x5D0, v1;
	s20 =	sadd.s32 $0x4B80, s1;
	v30 =	vld.idx.msk [tilespmem:v27+s3+$0x0], $0xffff  }
0xea: {  	v0 =	vadd.s32 $0x5D0, v0;
	s21 =	sor.u32 s2, s20  }
0xeb: {  	s15 =	sor.u32 s0, s20;
	[tilespmem:s21+$0x0] =	vst v4  }
0xec: {  	s16 =	sor.u32 s12, s20;
	v3 =	vld.idx.msk [tilespmem:v3+s3+$0x0], $0xffff;
	[tilespmem:s15+$0x0] =	vst v28  }
0xed: {  	s4 =	sor.u32 s13, s20;
	v2 =	vld.idx.msk [tilespmem:v2+s3+$0x0], $0xffff;
	[tilespmem:s16+$0x0] =	vst v29  }
0xee: {  	v1 =	vld.idx.msk [tilespmem:v1+s3+$0x0], $0xffff;
	[tilespmem:s4+$0x0] =	vst v30  }
0xef: {  	s17 =	sadd.s32 $0x4C00, s1;
	v0 =	vld.idx.msk [tilespmem:v0+s3+$0x0], $0xffff  }
0xf0: {  	s19 =	sor.u32 s2, s17  }
0xf1: {  	s20 =	sor.u32 s0, s17;
	[tilespmem:s19+$0x0] =	vst v3  }
0xf2: {  	s21 =	sor.u32 s12, s17;
	v3 =	vld [tilespmem:s14+$0x1500];
	[tilespmem:s20+$0x0] =	vst v2  }
0xf3: {  	s4 =	sor.u32 s13, s17;
	v2 =	vld [tilespmem:s25+$0x1F0];
	[tilespmem:s21+$0x0] =	vst v1  }
0xf4: {  	v1 =	vld [tilespmem:s25+$0x200];
	[tilespmem:s4+$0x0] =	vst v0  }
0xf5: {  	v0 =	vld [tilespmem:s25+$0x210];
	_ =	sdelay $0x1  }
0xf6: {  	v3 =	vmul.u32 $0x21, v3  }
0xf7: {  	v2 =	vmul.u32 $0x21, v2  }
0xf8: {  	v31 =	vadd.s32 $0x6D5, v3;
	v1 =	vmul.u32 $0x21, v1  }
0xf9: {  	v32 =	vadd.s32 $0x6D5, v2;
	v0 =	vmul.u32 $0x21, v0  }
0xfa: {  	v33 =	vadd.s32 $0x6D5, v1  }
0xfb: {  	v34 =	vadd.s32 $0x6D5, v0;
	_ =	sdelay $0x1  }
0xfc: {  	v4 =	vld.idx.msk [tilespmem:v31+s3+$0x0], $0xffff  }
0xfd: {  	v35 =	vadd.s32 $0x6D6, v3;
	v5 =	vld.idx.msk [tilespmem:v32+s3+$0x0], $0xffff  }
0xfe: {  	v36 =	vadd.s32 $0x6D6, v2;
	v6 =	vld.idx.msk [tilespmem:v33+s3+$0x0], $0xffff  }
0xff: {  	s15 =	sadd.s32 $0x4C80, s1;
	v37 =	vadd.s32 $0x6D6, v1;
	v7 =	vld.idx.msk [tilespmem:v34+s3+$0x0], $0xffff  }
0x100: {  	s16 =	sor.u32 s2, s15;
	v38 =	vadd.s32 $0x6D6, v0  }
0x101: {  	s17 =	sor.u32 s0, s15;
	[tilespmem:s16+$0x0] =	vst v4  }
0x102: {  	s19 =	sor.u32 s12, s15;
	v4 =	vld.idx.msk [tilespmem:v35+s3+$0x0], $0xffff;
	[tilespmem:s17+$0x0] =	vst v5  }
0x103: {  	s4 =	sor.u32 s13, s15;
	v39 =	vadd.s32 $0x6D7, v3;
	v40 =	vld.idx.msk [tilespmem:v36+s3+$0x0], $0xffff;
	[tilespmem:s19+$0x0] =	vst v6  }
0x104: {  	v41 =	vadd.s32 $0x6D7, v2;
	v42 =	vld.idx.msk [tilespmem:v37+s3+$0x0], $0xffff;
	[tilespmem:s4+$0x0] =	vst v7  }
0x105: {  	s20 =	sadd.s32 $0x4D00, s1;
	v43 =	vadd.s32 $0x6D7, v1;
	v44 =	vld.idx.msk [tilespmem:v38+s3+$0x0], $0xffff  }
0x106: {  	s21 =	sor.u32 s2, s20;
	v45 =	vadd.s32 $0x6D7, v0  }
0x107: {  	s15 =	sor.u32 s0, s20;
	[tilespmem:s21+$0x0] =	vst v4  }
0x108: {  	s16 =	sor.u32 s12, s20;
	v4 =	vld.idx.msk [tilespmem:v39+s3+$0x0], $0xffff;
	[tilespmem:s15+$0x0] =	vst v40  }
0x109: {  	v46 =	vadd.s32 $0x6D8, v3;
	s4 =	sor.u32 s13, s20;
	v6 =	vld.idx.msk [tilespmem:v41+s3+$0x0], $0xffff;
	[tilespmem:s16+$0x0] =	vst v42  }
0x10a: {  	v47 =	vadd.s32 $0x6D8, v2;
	v7 =	vld.idx.msk [tilespmem:v43+s3+$0x0], $0xffff;
	[tilespmem:s4+$0x0] =	vst v44  }
0x10b: {  	v48 =	vadd.s32 $0x6D8, v1;
	s17 =	sadd.s32 $0x4D80, s1;
	v10 =	vld.idx.msk [tilespmem:v45+s3+$0x0], $0xffff  }
0x10c: {  	v49 =	vadd.s32 $0x6D8, v0;
	s19 =	sor.u32 s2, s17  }
0x10d: {  	s20 =	sor.u32 s0, s17;
	[tilespmem:s19+$0x0] =	vst v4  }
0x10e: {  	s21 =	sor.u32 s12, s17;
	v4 =	vld.idx.msk [tilespmem:v46+s3+$0x0], $0xffff;
	[tilespmem:s20+$0x0] =	vst v6  }
0x10f: {  	v50 =	vadd.s32 $0x6D9, v3;
	s4 =	sor.u32 s13, s17;
	v6 =	vld.idx.msk [tilespmem:v47+s3+$0x0], $0xffff;
	[tilespmem:s21+$0x0] =	vst v7  }
0x110: {  	v51 =	vadd.s32 $0x6D9, v2;
	v52 =	vld.idx.msk [tilespmem:v48+s3+$0x0], $0xffff;
	[tilespmem:s4+$0x0] =	vst v10  }
0x111: {  	v53 =	vadd.s32 $0x6D9, v1;
	s15 =	sadd.s32 $0x4E00, s1;
	v10 =	vld.idx.msk [tilespmem:v49+s3+$0x0], $0xffff  }
0x112: {  	v54 =	vadd.s32 $0x6D9, v0;
	s16 =	sor.u32 s2, s15  }
0x113: {  	s17 =	sor.u32 s0, s15;
	[tilespmem:s16+$0x0] =	vst v4  }
0x114: {  	s19 =	sor.u32 s12, s15;
	v4 =	vld.idx.msk [tilespmem:v50+s3+$0x0], $0xffff;
	[tilespmem:s17+$0x0] =	vst v6  }
0x115: {  	v3 =	vadd.s32 $0x6DA, v3;
	s4 =	sor.u32 s13, s15;
	v55 =	vld.idx.msk [tilespmem:v51+s3+$0x0], $0xffff;
	[tilespmem:s19+$0x0] =	vst v52  }
0x116: {  	v2 =	vadd.s32 $0x6DA, v2;
	v56 =	vld.idx.msk [tilespmem:v53+s3+$0x0], $0xffff;
	[tilespmem:s4+$0x0] =	vst v10  }
0x117: {  	v1 =	vadd.s32 $0x6DA, v1;
	s20 =	sadd.s32 $0x4E80, s1;
	v57 =	vld.idx.msk [tilespmem:v54+s3+$0x0], $0xffff  }
0x118: {  	v0 =	vadd.s32 $0x6DA, v0;
	s21 =	sor.u32 s2, s20  }
0x119: {  	s15 =	sor.u32 s0, s20;
	[tilespmem:s21+$0x0] =	vst v4  }
0x11a: {  	s16 =	sor.u32 s12, s20;
	v3 =	vld.idx.msk [tilespmem:v3+s3+$0x0], $0xffff;
	[tilespmem:s15+$0x0] =	vst v55  }
0x11b: {  	s4 =	sor.u32 s13, s20;
	v2 =	vld.idx.msk [tilespmem:v2+s3+$0x0], $0xffff;
	[tilespmem:s16+$0x0] =	vst v56  }
0x11c: {  	v1 =	vld.idx.msk [tilespmem:v1+s3+$0x0], $0xffff;
	[tilespmem:s4+$0x0] =	vst v57  }
0x11d: {  	s17 =	sadd.s32 $0x5B00, s1;
	v0 =	vld.idx.msk [tilespmem:v0+s3+$0x0], $0xffff  }
0x11e: {  	s19 =	sor.u32 s2, s17  }
0x11f: {  	s20 =	sor.u32 s0, s17;
	[tilespmem:s19+$0x0] =	vst v3  }
0x120: {  	s21 =	sor.u32 s12, s17;
	v3 =	vld [tilespmem:s14+$0x1700];
	[tilespmem:s20+$0x0] =	vst v2  }
0x121: {  	s4 =	sor.u32 s13, s17;
	v2 =	vld [tilespmem:s25+$0x3F0];
	[tilespmem:s21+$0x0] =	vst v1  }
0x122: {  	v1 =	vld [tilespmem:s25+$0x400];
	[tilespmem:s4+$0x0] =	vst v0  }
0x123: {  	v0 =	vld [tilespmem:s25+$0x410];
	_ =	sdelay $0x1  }
0x124: {  	v3 =	vmul.u32 $0x21, v3  }
0x125: {  	v2 =	vmul.u32 $0x21, v2  }
0x126: {  	v58 =	vadd.s32 $0x840, v3;
	v1 =	vmul.u32 $0x21, v1  }
0x127: {  	v59 =	vadd.s32 $0x840, v2;
	v0 =	vmul.u32 $0x21, v0  }
0x128: {  	v60 =	vadd.s32 $0x840, v1  }
0x129: {  	v61 =	vadd.s32 $0x840, v0;
	_ =	sdelay $0x1  }
0x12a: {  	v4 =	vld.idx.msk [tilespmem:v58+s3+$0x0], $0xffff  }
0x12b: {  	v62 =	vadd.s32 $0x841, v3;
	v5 =	vld.idx.msk [tilespmem:v59+s3+$0x0], $0xffff  }
0x12c: {  	v63 =	vadd.s32 $0x841, v2;
	v6 =	vld.idx.msk [tilespmem:v60+s3+$0x0], $0xffff  }
0x12d: {  	s14 =	sadd.s32 $0x5B80, s1;
	v12 =	vadd.s32 $0x841, v1;
	v7 =	vld.idx.msk [tilespmem:v61+s3+$0x0], $0xffff  }
0x12e: {  	s15 =	sor.u32 s2, s14;
	v13 =	vadd.s32 $0x841, v0  }
0x12f: {  	s16 =	sor.u32 s0, s14;
	[tilespmem:s15+$0x0] =	vst v4  }
0x130: {  	s17 =	sor.u32 s12, s14;
	v4 =	vld.idx.msk [tilespmem:v62+s3+$0x0], $0xffff;
	[tilespmem:s16+$0x0] =	vst v5  }
0x131: {  	s4 =	sor.u32 s13, s14;
	v14 =	vadd.s32 $0x842, v3;
	v15 =	vld.idx.msk [tilespmem:v63+s3+$0x0], $0xffff;
	[tilespmem:s17+$0x0] =	vst v6  }
0x132: {  	v16 =	vadd.s32 $0x842, v2;
	v17 =	vld.idx.msk [tilespmem:v12+s3+$0x0], $0xffff;
	[tilespmem:s4+$0x0] =	vst v7  }
0x133: {  	s19 =	sadd.s32 $0x5C00, s1;
	v18 =	vadd.s32 $0x842, v1;
	v19 =	vld.idx.msk [tilespmem:v13+s3+$0x0], $0xffff  }
0x134: {  	s20 =	sor.u32 s2, s19;
	v20 =	vadd.s32 $0x842, v0  }
0x135: {  	s21 =	sor.u32 s0, s19;
	[tilespmem:s20+$0x0] =	vst v4  }
0x136: {  	s14 =	sor.u32 s12, s19;
	v4 =	vld.idx.msk [tilespmem:v14+s3+$0x0], $0xffff;
	[tilespmem:s21+$0x0] =	vst v15  }
0x137: {  	v21 =	vadd.s32 $0x843, v3;
	s4 =	sor.u32 s13, s19;
	v6 =	vld.idx.msk [tilespmem:v16+s3+$0x0], $0xffff;
	[tilespmem:s14+$0x0] =	vst v17  }
0x138: {  	v22 =	vadd.s32 $0x843, v2;
	v7 =	vld.idx.msk [tilespmem:v18+s3+$0x0], $0xffff;
	[tilespmem:s4+$0x0] =	vst v19  }
0x139: {  	v23 =	vadd.s32 $0x843, v1;
	s15 =	sadd.s32 $0x5C80, s1;
	v10 =	vld.idx.msk [tilespmem:v20+s3+$0x0], $0xffff  }
0x13a: {  	v24 =	vadd.s32 $0x843, v0;
	s16 =	sor.u32 s2, s15  }
0x13b: {  	s17 =	sor.u32 s0, s15;
	[tilespmem:s16+$0x0] =	vst v4  }
0x13c: {  	s19 =	sor.u32 s12, s15;
	v4 =	vld.idx.msk [tilespmem:v21+s3+$0x0], $0xffff;
	[tilespmem:s17+$0x0] =	vst v6  }
0x13d: {  	v25 =	vadd.s32 $0x844, v3;
	s4 =	sor.u32 s13, s15;
	v6 =	vld.idx.msk [tilespmem:v22+s3+$0x0], $0xffff;
	[tilespmem:s19+$0x0] =	vst v7  }
0x13e: {  	v26 =	vadd.s32 $0x844, v2;
	v27 =	vld.idx.msk [tilespmem:v23+s3+$0x0], $0xffff;
	[tilespmem:s4+$0x0] =	vst v10  }
0x13f: {  	v28 =	vadd.s32 $0x844, v1;
	s20 =	sadd.s32 $0x5D00, s1;
	v10 =	vld.idx.msk [tilespmem:v24+s3+$0x0], $0xffff  }
0x140: {  	v29 =	vadd.s32 $0x844, v0;
	s21 =	sor.u32 s2, s20  }
0x141: {  	s14 =	sor.u32 s0, s20;
	[tilespmem:s21+$0x0] =	vst v4  }
0x142: {  	s15 =	sor.u32 s12, s20;
	v4 =	vld.idx.msk [tilespmem:v25+s3+$0x0], $0xffff;
	[tilespmem:s14+$0x0] =	vst v6  }
0x143: {  	v30 =	vadd.s32 $0x845, v3;
	s4 =	sor.u32 s13, s20;
	v6 =	vld.idx.msk [tilespmem:v26+s3+$0x0], $0xffff;
	[tilespmem:s15+$0x0] =	vst v27  }
0x144: {  	v31 =	vadd.s32 $0x845, v2;
	v8 =	vld.idx.msk [tilespmem:v28+s3+$0x0], $0xffff;
	[tilespmem:s4+$0x0] =	vst v10  }
0x145: {  	v32 =	vadd.s32 $0x845, v1;
	s16 =	sadd.s32 $0x5D80, s1;
	v10 =	vld.idx.msk [tilespmem:v29+s3+$0x0], $0xffff  }
0x146: {  	v33 =	vadd.s32 $0x845, v0;
	s17 =	sor.u32 s2, s16  }
0x147: {  	s19 =	sor.u32 s0, s16;
	[tilespmem:s17+$0x0] =	vst v4  }
0x148: {  	s20 =	sor.u32 s12, s16;
	v4 =	vld.idx.msk [tilespmem:v30+s3+$0x0], $0xffff;
	[tilespmem:s19+$0x0] =	vst v6  }
0x149: {  	v34 =	vadd.s32 $0x846, v3;
	s4 =	sor.u32 s13, s16;
	v6 =	vld.idx.msk [tilespmem:v31+s3+$0x0], $0xffff;
	[tilespmem:s20+$0x0] =	vst v8  }
0x14a: {  	v35 =	vadd.s32 $0x846, v2;
	v8 =	vld.idx.msk [tilespmem:v32+s3+$0x0], $0xffff;
	[tilespmem:s4+$0x0] =	vst v10  }
0x14b: {  	v36 =	vadd.s32 $0x846, v1;
	s21 =	sadd.s32 $0x5E00, s1;
	v10 =	vld.idx.msk [tilespmem:v33+s3+$0x0], $0xffff  }
0x14c: {  	v37 =	vadd.s32 $0x846, v0;
	s14 =	sor.u32 s2, s21  }
0x14d: {  	s15 =	sor.u32 s0, s21;
	[tilespmem:s14+$0x0] =	vst v4  }
0x14e: {  	s16 =	sor.u32 s12, s21;
	v4 =	vld.idx.msk [tilespmem:v34+s3+$0x0], $0xffff;
	[tilespmem:s15+$0x0] =	vst v6  }
0x14f: {  	v38 =	vadd.s32 $0x847, v3;
	s4 =	sor.u32 s13, s21;
	v6 =	vld.idx.msk [tilespmem:v35+s3+$0x0], $0xffff;
	[tilespmem:s16+$0x0] =	vst v8  }
0x150: {  	v39 =	vadd.s32 $0x847, v2;
	v8 =	vld.idx.msk [tilespmem:v36+s3+$0x0], $0xffff;
	[tilespmem:s4+$0x0] =	vst v10  }
0x151: {  	v40 =	vadd.s32 $0x847, v1;
	s17 =	sadd.s32 $0x5E80, s1;
	v10 =	vld.idx.msk [tilespmem:v37+s3+$0x0], $0xffff  }
0x152: {  	v41 =	vadd.s32 $0x847, v0;
	s19 =	sor.u32 s2, s17  }
0x153: {  	s20 =	sor.u32 s0, s17;
	[tilespmem:s19+$0x0] =	vst v4  }
0x154: {  	s21 =	sor.u32 s12, s17;
	v4 =	vld.idx.msk [tilespmem:v38+s3+$0x0], $0xffff;
	[tilespmem:s20+$0x0] =	vst v6  }
0x155: {  	v42 =	vadd.s32 $0x848, v3;
	s4 =	sor.u32 s13, s17;
	v6 =	vld.idx.msk [tilespmem:v39+s3+$0x0], $0xffff;
	[tilespmem:s21+$0x0] =	vst v8  }
0x156: {  	v43 =	vadd.s32 $0x848, v2;
	v8 =	vld.idx.msk [tilespmem:v40+s3+$0x0], $0xffff;
	[tilespmem:s4+$0x0] =	vst v10  }
0x157: {  	v44 =	vadd.s32 $0x848, v1;
	s14 =	sadd.s32 $0x6B00, s1;
	v10 =	vld.idx.msk [tilespmem:v41+s3+$0x0], $0xffff  }
0x158: {  	v45 =	vadd.s32 $0x848, v0;
	s15 =	sor.u32 s2, s14  }
0x159: {  	s16 =	sor.u32 s0, s14;
	[tilespmem:s15+$0x0] =	vst v4  }
0x15a: {  	s17 =	sor.u32 s12, s14;
	v4 =	vld.idx.msk [tilespmem:v42+s3+$0x0], $0xffff;
	[tilespmem:s16+$0x0] =	vst v6  }
0x15b: {  	v46 =	vadd.s32 $0x849, v3;
	s4 =	sor.u32 s13, s14;
	v6 =	vld.idx.msk [tilespmem:v43+s3+$0x0], $0xffff;
	[tilespmem:s17+$0x0] =	vst v8  }
0x15c: {  	v47 =	vadd.s32 $0x849, v2;
	v8 =	vld.idx.msk [tilespmem:v44+s3+$0x0], $0xffff;
	[tilespmem:s4+$0x0] =	vst v10  }
0x15d: {  	v48 =	vadd.s32 $0x849, v1;
	s19 =	sadd.s32 $0x6B80, s1;
	v10 =	vld.idx.msk [tilespmem:v45+s3+$0x0], $0xffff  }
0x15e: {  	v49 =	vadd.s32 $0x849, v0;
	s20 =	sor.u32 s2, s19  }
0x15f: {  	s21 =	sor.u32 s0, s19;
	[tilespmem:s20+$0x0] =	vst v4  }
0x160: {  	s14 =	sor.u32 s12, s19;
	v4 =	vld.idx.msk [tilespmem:v46+s3+$0x0], $0xffff;
	[tilespmem:s21+$0x0] =	vst v6  }
0x161: {  	v50 =	vadd.s32 $0x84A, v3;
	s4 =	sor.u32 s13, s19;
	v6 =	vld.idx.msk [tilespmem:v47+s3+$0x0], $0xffff;
	[tilespmem:s14+$0x0] =	vst v8  }
0x162: {  	v51 =	vadd.s32 $0x84A, v2;
	v8 =	vld.idx.msk [tilespmem:v48+s3+$0x0], $0xffff;
	[tilespmem:s4+$0x0] =	vst v10  }
0x163: {  	v52 =	vadd.s32 $0x84A, v1;
	s15 =	sadd.s32 $0x6C00, s1;
	v10 =	vld.idx.msk [tilespmem:v49+s3+$0x0], $0xffff  }
0x164: {  	v53 =	vadd.s32 $0x84A, v0;
	s16 =	sor.u32 s2, s15  }
0x165: {  	s17 =	sor.u32 s0, s15;
	[tilespmem:s16+$0x0] =	vst v4  }
0x166: {  	s19 =	sor.u32 s12, s15;
	v4 =	vld.idx.msk [tilespmem:v50+s3+$0x0], $0xffff;
	[tilespmem:s17+$0x0] =	vst v6  }
0x167: {  	v54 =	vadd.s32 $0x84B, v3;
	s4 =	sor.u32 s13, s15;
	v6 =	vld.idx.msk [tilespmem:v51+s3+$0x0], $0xffff;
	[tilespmem:s19+$0x0] =	vst v8  }
0x168: {  	v55 =	vadd.s32 $0x84B, v2;
	v8 =	vld.idx.msk [tilespmem:v52+s3+$0x0], $0xffff;
	[tilespmem:s4+$0x0] =	vst v10  }
0x169: {  	v56 =	vadd.s32 $0x84B, v1;
	s20 =	sadd.s32 $0x6C80, s1;
	v10 =	vld.idx.msk [tilespmem:v53+s3+$0x0], $0xffff  }
0x16a: {  	v57 =	vadd.s32 $0x84B, v0;
	s21 =	sor.u32 s2, s20  }
0x16b: {  	s14 =	sor.u32 s0, s20;
	[tilespmem:s21+$0x0] =	vst v4  }
0x16c: {  	s15 =	sor.u32 s12, s20;
	v4 =	vld.idx.msk [tilespmem:v54+s3+$0x0], $0xffff;
	[tilespmem:s14+$0x0] =	vst v6  }
0x16d: {  	v58 =	vadd.s32 $0x84C, v3;
	s4 =	sor.u32 s13, s20;
	v6 =	vld.idx.msk [tilespmem:v55+s3+$0x0], $0xffff;
	[tilespmem:s15+$0x0] =	vst v8  }
0x16e: {  	v59 =	vadd.s32 $0x84C, v2;
	v8 =	vld.idx.msk [tilespmem:v56+s3+$0x0], $0xffff;
	[tilespmem:s4+$0x0] =	vst v10  }
0x16f: {  	v60 =	vadd.s32 $0x84C, v1;
	s16 =	sadd.s32 $0x6D00, s1;
	v10 =	vld.idx.msk [tilespmem:v57+s3+$0x0], $0xffff  }
0x170: {  	v61 =	vadd.s32 $0x84C, v0;
	s17 =	sor.u32 s2, s16  }
0x171: {  	s19 =	sor.u32 s0, s16;
	[tilespmem:s17+$0x0] =	vst v4  }
0x172: {  	s20 =	sor.u32 s12, s16;
	v4 =	vld.idx.msk [tilespmem:v58+s3+$0x0], $0xffff;
	[tilespmem:s19+$0x0] =	vst v6  }
0x173: {  	v62 =	vadd.s32 $0x84D, v3;
	s4 =	sor.u32 s13, s16;
	v6 =	vld.idx.msk [tilespmem:v59+s3+$0x0], $0xffff;
	[tilespmem:s20+$0x0] =	vst v8  }
0x174: {  	v63 =	vadd.s32 $0x84D, v2;
	v8 =	vld.idx.msk [tilespmem:v60+s3+$0x0], $0xffff;
	[tilespmem:s4+$0x0] =	vst v10  }
0x175: {  	v12 =	vadd.s32 $0x84D, v1;
	s21 =	sadd.s32 $0x6D80, s1;
	v10 =	vld.idx.msk [tilespmem:v61+s3+$0x0], $0xffff  }
0x176: {  	v13 =	vadd.s32 $0x84D, v0;
	s14 =	sor.u32 s2, s21  }
0x177: {  	s15 =	sor.u32 s0, s21;
	[tilespmem:s14+$0x0] =	vst v4  }
0x178: {  	s16 =	sor.u32 s12, s21;
	v4 =	vld.idx.msk [tilespmem:v62+s3+$0x0], $0xffff;
	[tilespmem:s15+$0x0] =	vst v6  }
0x179: {  	v14 =	vadd.s32 $0x84E, v3;
	s4 =	sor.u32 s13, s21;
	v6 =	vld.idx.msk [tilespmem:v63+s3+$0x0], $0xffff;
	[tilespmem:s16+$0x0] =	vst v8  }
0x17a: {  	v15 =	vadd.s32 $0x84E, v2;
	v8 =	vld.idx.msk [tilespmem:v12+s3+$0x0], $0xffff;
	[tilespmem:s4+$0x0] =	vst v10  }
0x17b: {  	v16 =	vadd.s32 $0x84E, v1;
	s17 =	sadd.s32 $0x6E00, s1;
	v10 =	vld.idx.msk [tilespmem:v13+s3+$0x0], $0xffff  }
0x17c: {  	v17 =	vadd.s32 $0x84E, v0;
	s19 =	sor.u32 s2, s17  }
0x17d: {  	s20 =	sor.u32 s0, s17;
	[tilespmem:s19+$0x0] =	vst v4  }
0x17e: {  	s21 =	sor.u32 s12, s17;
	v4 =	vld.idx.msk [tilespmem:v14+s3+$0x0], $0xffff;
	[tilespmem:s20+$0x0] =	vst v6  }
0x17f: {  	v18 =	vadd.s32 $0x84F, v3;
	s4 =	sor.u32 s13, s17;
	v6 =	vld.idx.msk [tilespmem:v15+s3+$0x0], $0xffff;
	[tilespmem:s21+$0x0] =	vst v8  }
0x180: {  	v19 =	vadd.s32 $0x84F, v2;
	v8 =	vld.idx.msk [tilespmem:v16+s3+$0x0], $0xffff;
	[tilespmem:s4+$0x0] =	vst v10  }
0x181: {  	v20 =	vadd.s32 $0x84F, v1;
	s14 =	sadd.s32 $0x6E80, s1;
	v10 =	vld.idx.msk [tilespmem:v17+s3+$0x0], $0xffff  }
0x182: {  	v21 =	vadd.s32 $0x84F, v0;
	s15 =	sor.u32 s2, s14  }
0x183: {  	s16 =	sor.u32 s0, s14;
	[tilespmem:s15+$0x0] =	vst v4  }
0x184: {  	s17 =	sor.u32 s12, s14;
	v4 =	vld.idx.msk [tilespmem:v18+s3+$0x0], $0xffff;
	[tilespmem:s16+$0x0] =	vst v6  }
0x185: {  	v22 =	vadd.s32 $0x850, v3;
	s4 =	sor.u32 s13, s14;
	v6 =	vld.idx.msk [tilespmem:v19+s3+$0x0], $0xffff;
	[tilespmem:s17+$0x0] =	vst v8  }
0x186: {  	v23 =	vadd.s32 $0x850, v2;
	v8 =	vld.idx.msk [tilespmem:v20+s3+$0x0], $0xffff;
	[tilespmem:s4+$0x0] =	vst v10  }
0x187: {  	v24 =	vadd.s32 $0x850, v1;
	s19 =	sadd.s32 $0x7B00, s1;
	v10 =	vld.idx.msk [tilespmem:v21+s3+$0x0], $0xffff  }
0x188: {  	v25 =	vadd.s32 $0x850, v0;
	s20 =	sor.u32 s2, s19  }
0x189: {  	s21 =	sor.u32 s0, s19;
	[tilespmem:s20+$0x0] =	vst v4  }
0x18a: {  	s14 =	sor.u32 s12, s19;
	v4 =	vld.idx.msk [tilespmem:v22+s3+$0x0], $0xffff;
	[tilespmem:s21+$0x0] =	vst v6  }
0x18b: {  	v26 =	vadd.s32 $0x851, v3;
	s4 =	sor.u32 s13, s19;
	v6 =	vld.idx.msk [tilespmem:v23+s3+$0x0], $0xffff;
	[tilespmem:s14+$0x0] =	vst v8  }
0x18c: {  	v27 =	vadd.s32 $0x851, v2;
	v8 =	vld.idx.msk [tilespmem:v24+s3+$0x0], $0xffff;
	[tilespmem:s4+$0x0] =	vst v10  }
0x18d: {  	v28 =	vadd.s32 $0x851, v1;
	s15 =	sadd.s32 $0x7B80, s1;
	v10 =	vld.idx.msk [tilespmem:v25+s3+$0x0], $0xffff  }
0x18e: {  	v29 =	vadd.s32 $0x851, v0;
	s16 =	sor.u32 s2, s15  }
0x18f: {  	s17 =	sor.u32 s0, s15;
	[tilespmem:s16+$0x0] =	vst v4  }
0x190: {  	s19 =	sor.u32 s12, s15;
	v4 =	vld.idx.msk [tilespmem:v26+s3+$0x0], $0xffff;
	[tilespmem:s17+$0x0] =	vst v6  }
0x191: {  	v30 =	vadd.s32 $0x852, v3;
	s4 =	sor.u32 s13, s15;
	v6 =	vld.idx.msk [tilespmem:v27+s3+$0x0], $0xffff;
	[tilespmem:s19+$0x0] =	vst v8  }
0x192: {  	v31 =	vadd.s32 $0x852, v2;
	v8 =	vld.idx.msk [tilespmem:v28+s3+$0x0], $0xffff;
	[tilespmem:s4+$0x0] =	vst v10  }
0x193: {  	v32 =	vadd.s32 $0x852, v1;
	s20 =	sadd.s32 $0x7C00, s1;
	v10 =	vld.idx.msk [tilespmem:v29+s3+$0x0], $0xffff  }
0x194: {  	v33 =	vadd.s32 $0x852, v0;
	s21 =	sor.u32 s2, s20  }
0x195: {  	s14 =	sor.u32 s0, s20;
	[tilespmem:s21+$0x0] =	vst v4  }
0x196: {  	s15 =	sor.u32 s12, s20;
	v4 =	vld.idx.msk [tilespmem:v30+s3+$0x0], $0xffff;
	[tilespmem:s14+$0x0] =	vst v6  }
0x197: {  	v34 =	vadd.s32 $0x853, v3;
	s4 =	sor.u32 s13, s20;
	v6 =	vld.idx.msk [tilespmem:v31+s3+$0x0], $0xffff;
	[tilespmem:s15+$0x0] =	vst v8  }
0x198: {  	v35 =	vadd.s32 $0x853, v2;
	v8 =	vld.idx.msk [tilespmem:v32+s3+$0x0], $0xffff;
	[tilespmem:s4+$0x0] =	vst v10  }
0x199: {  	v36 =	vadd.s32 $0x853, v1;
	s16 =	sadd.s32 $0x7C80, s1;
	v10 =	vld.idx.msk [tilespmem:v33+s3+$0x0], $0xffff  }
0x19a: {  	v37 =	vadd.s32 $0x853, v0;
	s17 =	sor.u32 s2, s16  }
0x19b: {  	s19 =	sor.u32 s0, s16;
	[tilespmem:s17+$0x0] =	vst v4  }
0x19c: {  	s20 =	sor.u32 s12, s16;
	v4 =	vld.idx.msk [tilespmem:v34+s3+$0x0], $0xffff;
	[tilespmem:s19+$0x0] =	vst v6  }
0x19d: {  	v38 =	vadd.s32 $0x854, v3;
	s4 =	sor.u32 s13, s16;
	v6 =	vld.idx.msk [tilespmem:v35+s3+$0x0], $0xffff;
	[tilespmem:s20+$0x0] =	vst v8  }
0x19e: {  	v39 =	vadd.s32 $0x854, v2;
	v8 =	vld.idx.msk [tilespmem:v36+s3+$0x0], $0xffff;
	[tilespmem:s4+$0x0] =	vst v10  }
0x19f: {  	v40 =	vadd.s32 $0x854, v1;
	s21 =	sadd.s32 $0x7D00, s1;
	v10 =	vld.idx.msk [tilespmem:v37+s3+$0x0], $0xffff  }
0x1a0: {  	v41 =	vadd.s32 $0x854, v0;
	s14 =	sor.u32 s2, s21  }
0x1a1: {  	s15 =	sor.u32 s0, s21;
	[tilespmem:s14+$0x0] =	vst v4  }
0x1a2: {  	s16 =	sor.u32 s12, s21;
	v4 =	vld.idx.msk [tilespmem:v38+s3+$0x0], $0xffff;
	[tilespmem:s15+$0x0] =	vst v6  }
0x1a3: {  	v42 =	vadd.s32 $0x855, v3;
	s4 =	sor.u32 s13, s21;
	v6 =	vld.idx.msk [tilespmem:v39+s3+$0x0], $0xffff;
	[tilespmem:s16+$0x0] =	vst v8  }
0x1a4: {  	v43 =	vadd.s32 $0x855, v2;
	v8 =	vld.idx.msk [tilespmem:v40+s3+$0x0], $0xffff;
	[tilespmem:s4+$0x0] =	vst v10  }
0x1a5: {  	v44 =	vadd.s32 $0x855, v1;
	s17 =	sadd.s32 $0x7D80, s1;
	v10 =	vld.idx.msk [tilespmem:v41+s3+$0x0], $0xffff  }
0x1a6: {  	v45 =	vadd.s32 $0x855, v0;
	s19 =	sor.u32 s2, s17  }
0x1a7: {  	s20 =	sor.u32 s0, s17;
	[tilespmem:s19+$0x0] =	vst v4  }
0x1a8: {  	s21 =	sor.u32 s12, s17;
	v4 =	vld.idx.msk [tilespmem:v42+s3+$0x0], $0xffff;
	[tilespmem:s20+$0x0] =	vst v6  }
0x1a9: {  	v46 =	vadd.s32 $0x856, v3;
	s4 =	sor.u32 s13, s17;
	v6 =	vld.idx.msk [tilespmem:v43+s3+$0x0], $0xffff;
	[tilespmem:s21+$0x0] =	vst v8  }
0x1aa: {  	v47 =	vadd.s32 $0x856, v2;
	v8 =	vld.idx.msk [tilespmem:v44+s3+$0x0], $0xffff;
	[tilespmem:s4+$0x0] =	vst v10  }
0x1ab: {  	v48 =	vadd.s32 $0x856, v1;
	s14 =	sadd.s32 $0x7E00, s1;
	v10 =	vld.idx.msk [tilespmem:v45+s3+$0x0], $0xffff  }
0x1ac: {  	v49 =	vadd.s32 $0x856, v0;
	s15 =	sor.u32 s2, s14  }
0x1ad: {  	s16 =	sor.u32 s0, s14;
	[tilespmem:s15+$0x0] =	vst v4  }
0x1ae: {  	s17 =	sor.u32 s12, s14;
	v4 =	vld.idx.msk [tilespmem:v46+s3+$0x0], $0xffff;
	[tilespmem:s16+$0x0] =	vst v6  }
0x1af: {  	v50 =	vadd.s32 $0x857, v3;
	s4 =	sor.u32 s13, s14;
	v6 =	vld.idx.msk [tilespmem:v47+s3+$0x0], $0xffff;
	[tilespmem:s17+$0x0] =	vst v8  }
0x1b0: {  	v51 =	vadd.s32 $0x857, v2;
	v8 =	vld.idx.msk [tilespmem:v48+s3+$0x0], $0xffff;
	[tilespmem:s4+$0x0] =	vst v10  }
0x1b1: {  	v52 =	vadd.s32 $0x857, v1;
	s19 =	sadd.s32 $0x7E80, s1;
	v10 =	vld.idx.msk [tilespmem:v49+s3+$0x0], $0xffff  }
0x1b2: {  	v53 =	vadd.s32 $0x857, v0;
	s20 =	sor.u32 s2, s19  }
0x1b3: {  	s21 =	sor.u32 s0, s19;
	[tilespmem:s20+$0x0] =	vst v4  }
0x1b4: {  	s14 =	sor.u32 s12, s19;
	v4 =	vld.idx.msk [tilespmem:v50+s3+$0x0], $0xffff;
	[tilespmem:s21+$0x0] =	vst v6  }
0x1b5: {  	v54 =	vadd.s32 $0x858, v3;
	s4 =	sor.u32 s13, s19;
	v6 =	vld.idx.msk [tilespmem:v51+s3+$0x0], $0xffff;
	[tilespmem:s14+$0x0] =	vst v8  }
0x1b6: {  	v55 =	vadd.s32 $0x858, v2;
	v8 =	vld.idx.msk [tilespmem:v52+s3+$0x0], $0xffff;
	[tilespmem:s4+$0x0] =	vst v10  }
0x1b7: {  	v56 =	vadd.s32 $0x858, v1;
	s15 =	sadd.s32 $0x8B00, s1;
	v10 =	vld.idx.msk [tilespmem:v53+s3+$0x0], $0xffff  }
0x1b8: {  	v57 =	vadd.s32 $0x858, v0;
	s16 =	sor.u32 s2, s15  }
0x1b9: {  	s17 =	sor.u32 s0, s15;
	[tilespmem:s16+$0x0] =	vst v4  }
0x1ba: {  	s19 =	sor.u32 s12, s15;
	[tilespmem:s17+$0x0] =	vst v6;
	v4 =	vld.idx.msk [tilespmem:v54+s3+$0x0], $0xffff  }
0x1bb: {  	v3 =	vadd.s32 $0x859, v3;
	s4 =	sor.u32 s13, s15;
	[tilespmem:s19+$0x0] =	vst v8;
	v58 =	vld.idx.msk [tilespmem:v55+s3+$0x0], $0xffff  }
0x1bc: {  	v2 =	vadd.s32 $0x859, v2;
	[tilespmem:s4+$0x0] =	vst v10;
	v59 =	vld.idx.msk [tilespmem:v56+s3+$0x0], $0xffff  }
0x1bd: {  	v1 =	vadd.s32 $0x859, v1;
	s20 =	sadd.s32 $0x8B80, s1;
	v60 =	vld.idx.msk [tilespmem:v57+s3+$0x0], $0xffff  }
0x1be: {  	v0 =	vadd.s32 $0x859, v0;
	s21 =	sor.u32 s2, s20  }
0x1bf: {  	s14 =	sor.u32 s0, s20;
	[tilespmem:s21+$0x0] =	vst v4  }
0x1c0: {  	s15 =	sor.u32 s12, s20;
	[tilespmem:s14+$0x0] =	vst v58;
	v3 =	vld.idx.msk [tilespmem:v3+s3+$0x0], $0xffff  }
0x1c1: {  	s4 =	sor.u32 s13, s20;
	[tilespmem:s15+$0x0] =	vst v59;
	v2 =	vld.idx.msk [tilespmem:v2+s3+$0x0], $0xffff  }
0x1c2: {  	[tilespmem:s4+$0x0] =	vst v60;
	v1 =	vld.idx.msk [tilespmem:v1+s3+$0x0], $0xffff  }
0x1c3: {  	s16 =	sadd.s32 $0x8C00, s1;
	v0 =	vld.idx.msk [tilespmem:v0+s3+$0x0], $0xffff  }
0x1c4: {  	s17 =	sor.u32 s2, s16  }
0x1c5: {  	s19 =	sor.u32 s0, s16;
	[tilespmem:s17+$0x0] =	vst v3  }
0x1c6: {  	s20 =	sor.u32 s12, s16;
	v3 =	vld [tilespmem:s26+$0xFFFFFFE0];
	[tilespmem:s19+$0x0] =	vst v2  }
0x1c7: {  	s4 =	sor.u32 s13, s16;
	[tilespmem:s20+$0x0] =	vst v1;
	v61 =	vld [tilespmem:s26+$0xFFFFFFF0]  }
0x1c8: {  	s24 =	sadd.s32 $0x4, s24;
	[tilespmem:s4+$0x0] =	vst v0;
	v62 =	vld [tilespmem:s26+$0x0]  }
0x1c9: {  	p1 =	slt.u32 s24, $0x1C;
	s1 =	sadd.s32 $0x8C80, s1;
	v63 =	vld [tilespmem:s26+$0x10]  }
.Ltmp0:
0x1ca: {  	s2 =	sor.u32 s2, s1;
	(pc) =	sbr.rel @p1 .LBB2_2-.Ltmp0, $4  }
0x1cb: {  	s0 =	sor.u32 s0, s1;
	[tilespmem:s2+$0x0] =	vst v3  }
0x1cc: {  	s30 =	sadd.s32 $0x4, s30;
	s29 =	sadd.s32 $0x2, s29;
	s21 =	sor.u32 s12, s1;
	[tilespmem:s0+$0x0] =	vst v61  }
0x1cd: {  	p0 =	por !p0, !p0;
	s28 =	sadd.s32 $0x40, s28;
	s1 =	sor.u32 s13, s1;
	[tilespmem:s21+$0x0] =	vst v62  }
0x1ce: {  	s31 =	sadd.s32 $0x200, s31;
	s25 =	sadd.s32 $0x40, s25;
	s26 =	sadd.s32 $0x40, s26;
	[tilespmem:s1+$0x0] =	vst v63  }
0x1cf: {  	s23 =	sadd.s32 $0x1, s23  }
0x1d0: {  	s0 =	simm.s32 $0x1000;
	p0 =	sne.s32 s23, s11  }
.Ltmp1:
0x1d1: {  	s1 =	simm.s32 $0x20000;
	s2 =	simm.s32 $0x1B00;
	(pc) =	sbr.rel @p0 .LBB2_1-.Ltmp1, $4  }
0x1d2: {  	[hbm4b:s10+s0] =	stream.strided.scatter [tilespmem:s2], [sflag:$0x2], $0x8000, s1, s0, $0x38;
	[tilespmem:$0x9B00] =	vst v63  }
0x1d3: {  	_ =	swait.ge [sflag:s22], $0x8000  }
0x1d4: {  	[sflag:s22] =	ssyncset.done $0x0  }
0x1d5: {  	[sflag:s22] =	ssyncadd.s32 $0xFFFF8000  }
0x1d6: {  	_ =	sfence.sel $0x180000  }
0x1d7: {  	[bflag:$0x0] =	sbarrier.arrive $0xFFFF  }
0x1d8: {  	_ =	strace $0x90000047  }
0x1d9: {  	s0 =	stileid.u32;
	[bflag:$0x2] =	sbarrier.arrive $0xFFFF  }
0x1da: {  	p0 =	sne.s32 s0, $0x0;
	s0 =	rddreg [dreg:$0x8]  }
0x1db: {  	s0 =	sadd.s32 @!p0 $0x100000, s0  }
0x1dc: {  	[sflag:s0] =	ssyncadd.tile.s32 @!p0 $0x1;
	_ =	shalt  }
.Lfunc_end2:
_tile_overlayer_lowered:
.L_overlay_start_2:
0x1dd: {  	(tag) =	ssettag $0x2  }
0x1de: {  	s0 =	rddreg [dreg:$0x0];
	s2 =	stileid.u32  }
0x1df: {  	s1 =	rddreg [dreg:$0x1];
	p0 =	sne.s32 s2, $0x0  }
0x1e0: {  	s3 =	rddreg [dreg:$0x2];
	[bflag:$0x3] =	sbarrier.arrive $0xFFFF;
	s2 =	simm.s32 @!p0 $0x1C02  }
0x1e1: {  	[timem:s3], [sflag:s2] =	dma.local @!p0 [hbm:s0], s1  }
0x1e2: {  	s0 =	simm.s32 @!p0 $0x2  }
0x1e3: {  	_ =	swait.ge @!p0 [sflag:s0], s1  }
0x1e4: {  	s1 =	ssub.s32 @!p0 $0x0, s1;
	[sflag:s0] =	ssyncset.done @!p0 $0x0  }
0x1e5: {  	[sflag:s0] =	ssyncadd.s32 @!p0 s1  }
0x1e6: {  	[bflag:$0x3] =	sbarrier.arrive $0xFFFF  }
0x1e7: {  	_ =	shalt  }

</sc_bundles>
